<compile_context>
chip_gen: v7x
topology: tpu7x:2x2x1
jax: 0.10.2.dev20260603
libtpu: 0.0.44.dev20260713+nightly
codegen_flags: <defaults>
</compile_context>

<pallas_src>
import functools

import jax
import jax.numpy as jnp
from jax import lax
from jax.experimental import pallas as pl
from jax.experimental.pallas import tpu as pltpu
from jax.experimental.pallas import tpu_sc as plsc

HIDDEN = 128
N_EDGES = 320000
N_X = 10000

SC_WORKERS = 32
SC_CHUNK = 200
SC_TRIPS = 15
SC_ROWS_W = SC_CHUNK * SC_TRIPS
SC_ROWS = SC_ROWS_W * SC_WORKERS
TC_ROWS = N_EDGES - SC_ROWS

TC_GRID = 50
BE = TC_ROWS // TC_GRID
BX = N_X // TC_GRID



def _sc_sum_body(e_hbm, out_hbm, buf0, buf1, acc_v, sem0, sem1):
    cid = lax.axis_index("c")
    sid = lax.axis_index("s")
    wid = sid * 2 + cid
    base = TC_ROWS + wid * SC_ROWS_W

    bufs = (buf0, buf1)
    sems = (sem0, sem1)
    copies = [None] * SC_TRIPS
    copies[0] = pltpu.async_copy(e_hbm.at[pl.ds(base, SC_CHUNK)], bufs[0], sems[0])

    carry = tuple(jnp.zeros((16,), jnp.float32) for _ in range(8))

    def row_add(buf):
        def body(r, cr):
            return tuple(cr[c] + buf[r, pl.ds(c * 16, 16)] for c in range(8))
        return body

    for t in range(SC_TRIPS):
        if t + 1 < SC_TRIPS:
            copies[t + 1] = pltpu.async_copy(
                e_hbm.at[pl.ds(base + (t + 1) * SC_CHUNK, SC_CHUNK)],
                bufs[(t + 1) % 2], sems[(t + 1) % 2])
        copies[t].wait()
        carry = lax.fori_loop(0, SC_CHUNK, row_add(bufs[t % 2]), carry)

    zero16 = jnp.zeros((16,), jnp.float32)
    for rr in range(8):
        for c in range(8):
            acc_v[rr, pl.ds(c * 16, 16)] = carry[c] if rr == 0 else zero16
    pltpu.sync_copy(acc_v, out_hbm.at[pl.ds(wid * 8, 8)])


@functools.partial(jax.jit)
def _sc_sum(edges):
    k = functools.partial(
        pl.kernel,
        out_type=jax.ShapeDtypeStruct((SC_WORKERS * 8, HIDDEN), jnp.float32),
        mesh=plsc.VectorSubcoreMesh(core_axis_name="c", subcore_axis_name="s"),
        scratch_types=[
            pltpu.VMEM((SC_CHUNK, HIDDEN), jnp.float32),
            pltpu.VMEM((SC_CHUNK, HIDDEN), jnp.float32),
            pltpu.VMEM((8, HIDDEN), jnp.float32),
            pltpu.SemaphoreType.DMA,
            pltpu.SemaphoreType.DMA,
        ],
    )(_sc_sum_body)
    return k(edges)



def _tree_sum8(a):
    rows = a.shape[0]
    if rows > 128 and rows % 128 == 0:
        a = a.reshape(rows // 128, 128, HIDDEN).sum(axis=0)
        rows = 128
    while rows > 8 and rows % 16 == 0:
        rows //= 2
        a = a[:rows] + a[rows:]
    if rows > 8:
        a = a.reshape(rows // 8, 8, HIDDEN).sum(axis=0)
    return a


def _tc_sum_kernel(x_ref, e_ref, out_ref, acc_ref):
    i = pl.program_id(0)

    @pl.when(i == 0)
    def _init():
        acc_ref[...] = jnp.zeros_like(acc_ref)

    acc_ref[0:8, :] += _tree_sum8(x_ref[...])
    acc_ref[8:16, :] += _tree_sum8(e_ref[...])

    @pl.when(i == TC_GRID - 1)
    def _finish():
        out_ref[...] = acc_ref[...]


def _tc_sum(x, edges):
    return pl.pallas_call(
        _tc_sum_kernel,
        grid=(TC_GRID,),
        in_specs=[
            pl.BlockSpec((BX, HIDDEN), lambda i: (i, 0)),
            pl.BlockSpec((BE, HIDDEN), lambda i: (i, 0)),
        ],
        out_specs=pl.BlockSpec((16, HIDDEN), lambda i: (0, 0)),
        out_shape=jax.ShapeDtypeStruct((16, HIDDEN), jnp.float32),
        scratch_shapes=[pltpu.VMEM((16, HIDDEN), jnp.float32)],
        compiler_params=pltpu.CompilerParams(
            dimension_semantics=("arbitrary",),
        ),
        cost_estimate=pl.CostEstimate(
            flops=(TC_ROWS + N_X) * HIDDEN,
            bytes_accessed=(TC_ROWS + N_X) * HIDDEN * 4,
            transcendentals=0,
        ),
    )(x, edges)



def _mlp_kernel(tcp_ref, scp_ref, g_ref, w1_ref, b1_ref, w2_ref, b2_ref,
                gamma_ref, beta_ref, out_ref):
    sn = jnp.sum(tcp_ref[0:8, :], axis=0, keepdims=True)
    e8 = tcp_ref[8:16, :] + _tree_sum8(scp_ref[...])
    se = jnp.sum(e8, axis=0, keepdims=True)
    g = g_ref[...]
    h = (jnp.dot(sn, w1_ref[0:HIDDEN, :], preferred_element_type=jnp.float32)
         + jnp.dot(se, w1_ref[HIDDEN:2 * HIDDEN, :], preferred_element_type=jnp.float32)
         + jnp.dot(g, w1_ref[2 * HIDDEN:3 * HIDDEN, :], preferred_element_type=jnp.float32)
         + b1_ref[...])
    h = jnp.maximum(h, 0.0)
    out = jnp.dot(h, w2_ref[...], preferred_element_type=jnp.float32) + b2_ref[...]
    mean = jnp.mean(out, axis=-1, keepdims=True)
    var = jnp.mean((out - mean) ** 2, axis=-1, keepdims=True)
    out_ref[...] = ((out - mean) * jax.lax.rsqrt(var + 1e-5)
                    * gamma_ref[...] + beta_ref[...])


def _mlp(tc_part, sc_part, global_attr, W1, b1r, W2, b2r, gammar, betar):
    return pl.pallas_call(
        _mlp_kernel,
        out_shape=jax.ShapeDtypeStruct((1, HIDDEN), jnp.float32),
    )(tc_part, sc_part, global_attr, W1, b1r, W2, b2r, gammar, betar)


def kernel(x, edge_attr_updated, global_attr, W1, b1, W2, b2, gamma, beta):
    tc_part = _tc_sum(x, edge_attr_updated)
    sc_part = _sc_sum(edge_attr_updated)
    return _mlp(tc_part, sc_part, global_attr, W1,
                b1.reshape(1, HIDDEN), W2, b2.reshape(1, HIDDEN),
                gamma.reshape(1, HIDDEN), beta.reshape(1, HIDDEN))

# --- scband reference (transcript-rebuilt; emitter-appended) ---
"""Pipeline reference for scband-global-block-45088566673704 (READ-ONLY COPY).

The authoritative reference and input builder live on the scoring server;
editing this copy changes nothing except your own understanding.
"""

import jax, jax.numpy as jnp
import numpy as np

HIDDEN = 128

def setup_inputs(seed: int = 0) -> dict:
    key = jax.random.key(seed)
    ks = jax.random.split(key, 9)
    x = jax.random.normal(ks[0], (10000, HIDDEN), dtype=jnp.float32)
    edge_attr_updated = jax.random.normal(ks[1], (320000, HIDDEN), dtype=jnp.float32)
    global_attr = jax.random.normal(ks[2], (1, HIDDEN), dtype=jnp.float32)
    # MLP params: Linear(3h -> h), ReLU, Linear(h -> h), LayerNorm(h)
    W1 = jax.random.normal(ks[3], (3 * HIDDEN, HIDDEN), dtype=jnp.float32) * 0.05
    b1 = jnp.zeros((HIDDEN,), dtype=jnp.float32)
    W2 = jax.random.normal(ks[4], (HIDDEN, HIDDEN), dtype=jnp.float32) * 0.05
    b2 = jnp.zeros((HIDDEN,), dtype=jnp.float32)
    gamma = jnp.ones((HIDDEN,), dtype=jnp.float32)
    beta = jnp.zeros((HIDDEN,), dtype=jnp.float32)
    return {"x": x, "edge_attr_updated": edge_attr_updated, "global_attr": global_attr,
            "W1": W1, "b1": b1, "W2": W2, "b2": b2, "gamma": gamma, "beta": beta}

def _layer_norm(out, gamma, beta, eps=1e-5):
    mean = jnp.mean(out, axis=-1, keepdims=True)
    var = jnp.var(out, axis=-1, keepdims=True)
    return (out - mean) / jnp.sqrt(var + eps) * gamma + beta

def reference(x, edge_attr_updated, global_attr, W1, b1, W2, b2, gamma, beta):
    # g' = f_g(sum_nodes, sum_edges, g)  (batch=None path: full-graph sums)
    sum_nodes = jnp.sum(x, axis=0, keepdims=True)
    sum_edges = jnp.sum(edge_attr_updated, axis=0, keepdims=True)
    global_input = jnp.concatenate([sum_nodes, sum_edges, global_attr], axis=-1)
    h = jax.nn.relu(global_input @ W1 + b1)
    out = h @ W2 + b2
    return _layer_norm(out, gamma, beta)

if __name__ == "__main__":
    import jax
    _d = setup_inputs()
    print(jax.jit(kernel)(*tuple(_d.values())))

</pallas_src>

<mosaic_0001>
#map = affine_map<(d0, d1) -> (0, 0)>
module attributes {stable_mosaic.version = 14 : i64} {
  func.func @_sc_sum_body(%arg0: i32, %arg1: i32, %arg2: memref<320000x128xf32, #tpu.memory_space<hbm>>, %arg3: memref<256x128xf32, #tpu.memory_space<hbm>>, %arg4: memref<200x128xf32, #tpu.memory_space<vmem>>, %arg5: memref<200x128xf32, #tpu.memory_space<vmem>>, %arg6: memref<8x128xf32, #tpu.memory_space<vmem>>, %arg7: memref<!tpu.dma_semaphore, #tpu.memory_space<semaphore_mem>>, %arg8: memref<!tpu.dma_semaphore, #tpu.memory_space<semaphore_mem>>) attributes {dimension_semantics = [#tpu.dimension_semantics<core_parallel>, #tpu.dimension_semantics<subcore_parallel>], iteration_bounds = array<i64: 2, 16>, scalar_prefetch = 0 : i64, scratch_operands = 5 : i64, tpu.core_type = #tpu.core_type<sc_vector_subcore>, window_params = [{transform_indices = #map}, {transform_indices = #map}]} {
    %mul3A = arith.constant 2 : i32
    %mul3A_0 = arith.muli %arg1, %mul3A : i32
    %add3A = arith.addi %mul3A_0, %arg0 : i32
    %mul3A_1 = arith.constant 3000 : i32
    %mul3A_2 = arith.muli %add3A, %mul3A_1 : i32
    %add3A_3 = arith.constant 224000 : i32
    %add3A_4 = arith.addi %add3A_3, %mul3A_2 : i32
    %dma_start3A = arith.constant 0 : i32
    %dma_start3A_5 = tpu.memref_slice %arg2[%add3A_4, %dma_start3A] : memref<320000x128xf32, #tpu.memory_space<hbm>> -> memref<200x128xf32, #tpu.memory_space<hbm>>
    %dma_start3A_6 = arith.constant 0 : i32
    %dma_start3A_7 = tpu.memref_slice %arg2[%add3A_4, %dma_start3A_6] : memref<320000x128xf32, #tpu.memory_space<hbm>> -> memref<200x128xf32, #tpu.memory_space<hbm>>
    tpu.enqueue_dma source(%dma_start3A_7 : memref<200x128xf32, #tpu.memory_space<hbm>>) target(%arg4 : memref<200x128xf32, #tpu.memory_space<vmem>>) target_semaphore(%arg7 : memref<!tpu.dma_semaphore, #tpu.memory_space<semaphore_mem>>)
    %broadcast_in_dim3A = arith.constant 0.000000e+00 : f32
    %broadcast_in_dim3A_8 = vector.broadcast %broadcast_in_dim3A : f32 to vector<16xf32>
    %broadcast_in_dim3A_9 = arith.constant 0.000000e+00 : f32
    %broadcast_in_dim3A_10 = vector.broadcast %broadcast_in_dim3A_9 : f32 to vector<16xf32>
    %broadcast_in_dim3A_11 = arith.constant 0.000000e+00 : f32
    %broadcast_in_dim3A_12 = vector.broadcast %broadcast_in_dim3A_11 : f32 to vector<16xf32>
    %broadcast_in_dim3A_13 = arith.constant 0.000000e+00 : f32
    %broadcast_in_dim3A_14 = vector.broadcast %broadcast_in_dim3A_13 : f32 to vector<16xf32>
    %broadcast_in_dim3A_15 = arith.constant 0.000000e+00 : f32
    %broadcast_in_dim3A_16 = vector.broadcast %broadcast_in_dim3A_15 : f32 to vector<16xf32>
    %broadcast_in_dim3A_17 = arith.constant 0.000000e+00 : f32
    %broadcast_in_dim3A_18 = vector.broadcast %broadcast_in_dim3A_17 : f32 to vector<16xf32>
    %broadcast_in_dim3A_19 = arith.constant 0.000000e+00 : f32
    %broadcast_in_dim3A_20 = vector.broadcast %broadcast_in_dim3A_19 : f32 to vector<16xf32>
    %broadcast_in_dim3A_21 = arith.constant 0.000000e+00 : f32
    %broadcast_in_dim3A_22 = vector.broadcast %broadcast_in_dim3A_21 : f32 to vector<16xf32>
    %add3A_23 = arith.constant 200 : i32
    %add3A_24 = arith.addi %add3A_4, %add3A_23 : i32
    %dma_start3A_25 = arith.constant 0 : i32
    %dma_start3A_26 = tpu.memref_slice %arg2[%add3A_24, %dma_start3A_25] : memref<320000x128xf32, #tpu.memory_space<hbm>> -> memref<200x128xf32, #tpu.memory_space<hbm>>
    %dma_start3A_27 = arith.constant 0 : i32
    %dma_start3A_28 = tpu.memref_slice %arg2[%add3A_24, %dma_start3A_27] : memref<320000x128xf32, #tpu.memory_space<hbm>> -> memref<200x128xf32, #tpu.memory_space<hbm>>
    tpu.enqueue_dma source(%dma_start3A_28 : memref<200x128xf32, #tpu.memory_space<hbm>>) target(%arg5 : memref<200x128xf32, #tpu.memory_space<vmem>>) target_semaphore(%arg8 : memref<!tpu.dma_semaphore, #tpu.memory_space<semaphore_mem>>)
    %dma_wait3A = arith.constant 0 : i32
    %dma_wait3A_29 = tpu.memref_slice %arg2[%add3A_4, %dma_wait3A] : memref<320000x128xf32, #tpu.memory_space<hbm>> -> memref<200x128xf32, #tpu.memory_space<hbm>>
    %dma_wait3A_30 = arith.constant 0 : i32
    %dma_wait3A_31 = tpu.memref_slice %arg2[%add3A_4, %dma_wait3A_30] : memref<320000x128xf32, #tpu.memory_space<hbm>> -> memref<200x128xf32, #tpu.memory_space<hbm>>
    tpu.wait_dma2 semaphore(%arg7 : memref<!tpu.dma_semaphore, #tpu.memory_space<semaphore_mem>>) src(%dma_wait3A_31 : memref<200x128xf32, #tpu.memory_space<hbm>>) dst(%arg4 : memref<200x128xf32, #tpu.memory_space<vmem>>)
    %scan3A = arith.constant 0 : i32
    %scan3A_32 = arith.constant 200 : i32
    %scan3A_33 = arith.addi %scan3A, %scan3A_32 : i32
    %scan3A_34 = arith.constant 1 : i32
    %scan3A_35:8 = scf.for %scan3A_642 = %scan3A to %scan3A_33 step %scan3A_34 iter_args(%scan3A_643 = %broadcast_in_dim3A_8, %scan3A_644 = %broadcast_in_dim3A_10, %scan3A_645 = %broadcast_in_dim3A_12, %scan3A_646 = %broadcast_in_dim3A_14, %scan3A_647 = %broadcast_in_dim3A_16, %scan3A_648 = %broadcast_in_dim3A_18, %scan3A_649 = %broadcast_in_dim3A_20, %scan3A_650 = %broadcast_in_dim3A_22) -> (vector<16xf32>, vector<16xf32>, vector<16xf32>, vector<16xf32>, vector<16xf32>, vector<16xf32>, vector<16xf32>, vector<16xf32>)  : i32 {
      %get3A = arith.index_cast %scan3A_642 : i32 to index
      %get3A_651 = arith.constant 0 : index
      %get3A_652 = tpu.vector_load %arg4[%get3A, %get3A_651] {strides = array<i32>} : memref<200x128xf32, #tpu.memory_space<vmem>>, vector<1x16xf32>,
      %get3A_653 = vector.shape_cast %get3A_652 : vector<1x16xf32> to vector<16xf32>
      %add3A_654 = arith.addf %scan3A_643, %get3A_653 : vector<16xf32>
      %get3A_655 = arith.index_cast %scan3A_642 : i32 to index
      %get3A_656 = arith.constant 16 : index
      %get3A_657 = tpu.vector_load %arg4[%get3A_655, %get3A_656] {strides = array<i32>} : memref<200x128xf32, #tpu.memory_space<vmem>>, vector<1x16xf32>,
      %get3A_658 = vector.shape_cast %get3A_657 : vector<1x16xf32> to vector<16xf32>
      %add3A_659 = arith.addf %scan3A_644, %get3A_658 : vector<16xf32>
      %get3A_660 = arith.index_cast %scan3A_642 : i32 to index
      %get3A_661 = arith.constant 32 : index
      %get3A_662 = tpu.vector_load %arg4[%get3A_660, %get3A_661] {strides = array<i32>} : memref<200x128xf32, #tpu.memory_space<vmem>>, vector<1x16xf32>,
      %get3A_663 = vector.shape_cast %get3A_662 : vector<1x16xf32> to vector<16xf32>
      %add3A_664 = arith.addf %scan3A_645, %get3A_663 : vector<16xf32>
      %get3A_665 = arith.index_cast %scan3A_642 : i32 to index
      %get3A_666 = arith.constant 48 : index
      %get3A_667 = tpu.vector_load %arg4[%get3A_665, %get3A_666] {strides = array<i32>} : memref<200x128xf32, #tpu.memory_space<vmem>>, vector<1x16xf32>,
      %get3A_668 = vector.shape_cast %get3A_667 : vector<1x16xf32> to vector<16xf32>
      %add3A_669 = arith.addf %scan3A_646, %get3A_668 : vector<16xf32>
      %get3A_670 = arith.index_cast %scan3A_642 : i32 to index
      %get3A_671 = arith.constant 64 : index
      %get3A_672 = tpu.vector_load %arg4[%get3A_670, %get3A_671] {strides = array<i32>} : memref<200x128xf32, #tpu.memory_space<vmem>>, vector<1x16xf32>,
      %get3A_673 = vector.shape_cast %get3A_672 : vector<1x16xf32> to vector<16xf32>
      %add3A_674 = arith.addf %scan3A_647, %get3A_673 : vector<16xf32>
      %get3A_675 = arith.index_cast %scan3A_642 : i32 to index
      %get3A_676 = arith.constant 80 : index
      %get3A_677 = tpu.vector_load %arg4[%get3A_675, %get3A_676] {strides = array<i32>} : memref<200x128xf32, #tpu.memory_space<vmem>>, vector<1x16xf32>,
      %get3A_678 = vector.shape_cast %get3A_677 : vector<1x16xf32> to vector<16xf32>
      %add3A_679 = arith.addf %scan3A_648, %get3A_678 : vector<16xf32>
      %get3A_680 = arith.index_cast %scan3A_642 : i32 to index
      %get3A_681 = arith.constant 96 : index
      %get3A_682 = tpu.vector_load %arg4[%get3A_680, %get3A_681] {strides = array<i32>} : memref<200x128xf32, #tpu.memory_space<vmem>>, vector<1x16xf32>,
      %get3A_683 = vector.shape_cast %get3A_682 : vector<1x16xf32> to vector<16xf32>
      %add3A_684 = arith.addf %scan3A_649, %get3A_683 : vector<16xf32>
      %get3A_685 = arith.index_cast %scan3A_642 : i32 to index
      %get3A_686 = arith.constant 112 : index
      %get3A_687 = tpu.vector_load %arg4[%get3A_685, %get3A_686] {strides = array<i32>} : memref<200x128xf32, #tpu.memory_space<vmem>>, vector<1x16xf32>,
      %get3A_688 = vector.shape_cast %get3A_687 : vector<1x16xf32> to vector<16xf32>
      %add3A_689 = arith.addf %scan3A_650, %get3A_688 : vector<16xf32>
      scf.yield %add3A_654, %add3A_659, %add3A_664, %add3A_669, %add3A_674, %add3A_679, %add3A_684, %add3A_689 : vector<16xf32>, vector<16xf32>, vector<16xf32>, vector<16xf32>, vector<16xf32>, vector<16xf32>, vector<16xf32>, vector<16xf32>
    }
    %scan3A_36 = arith.constant 200 : i32
    %add3A_37 = arith.constant 400 : i32
    %add3A_38 = arith.addi %add3A_4, %add3A_37 : i32
    %dma_start3A_39 = arith.constant 0 : i32
    %dma_start3A_40 = tpu.memref_slice %arg2[%add3A_38, %dma_start3A_39] : memref<320000x128xf32, #tpu.memory_space<hbm>> -> memref<200x128xf32, #tpu.memory_space<hbm>>
    %dma_start3A_41 = arith.constant 0 : i32
    %dma_start3A_42 = tpu.memref_slice %arg2[%add3A_38, %dma_start3A_41] : memref<320000x128xf32, #tpu.memory_space<hbm>> -> memref<200x128xf32, #tpu.memory_space<hbm>>
    tpu.enqueue_dma source(%dma_start3A_42 : memref<200x128xf32, #tpu.memory_space<hbm>>) target(%arg4 : memref<200x128xf32, #tpu.memory_space<vmem>>) target_semaphore(%arg7 : memref<!tpu.dma_semaphore, #tpu.memory_space<semaphore_mem>>)
    %dma_wait3A_43 = arith.constant 0 : i32
    %dma_wait3A_44 = tpu.memref_slice %arg2[%add3A_24, %dma_wait3A_43] : memref<320000x128xf32, #tpu.memory_space<hbm>> -> memref<200x128xf32, #tpu.memory_space<hbm>>
    %dma_wait3A_45 = arith.constant 0 : i32
    %dma_wait3A_46 = tpu.memref_slice %arg2[%add3A_24, %dma_wait3A_45] : memref<320000x128xf32, #tpu.memory_space<hbm>> -> memref<200x128xf32, #tpu.memory_space<hbm>>
    tpu.wait_dma2 semaphore(%arg8 : memref<!tpu.dma_semaphore, #tpu.memory_space<semaphore_mem>>) src(%dma_wait3A_46 : memref<200x128xf32, #tpu.memory_space<hbm>>) dst(%arg5 : memref<200x128xf32, #tpu.memory_space<vmem>>)
    %scan3A_47 = arith.constant 0 : i32
    %scan3A_48 = arith.constant 200 : i32
    %scan3A_49 = arith.addi %scan3A_47, %scan3A_48 : i32
    %scan3A_50 = arith.constant 1 : i32
    %scan3A_51:8 = scf.for %scan3A_642 = %scan3A_47 to %scan3A_49 step %scan3A_50 iter_args(%scan3A_643 = %scan3A_35#0, %scan3A_644 = %scan3A_35#1, %scan3A_645 = %scan3A_35#2, %scan3A_646 = %scan3A_35#3, %scan3A_647 = %scan3A_35#4, %scan3A_648 = %scan3A_35#5, %scan3A_649 = %scan3A_35#6, %scan3A_650 = %scan3A_35#7) -> (vector<16xf32>, vector<16xf32>, vector<16xf32>, vector<16xf32>, vector<16xf32>, vector<16xf32>, vector<16xf32>, vector<16xf32>)  : i32 {
      %get3A = arith.index_cast %scan3A_642 : i32 to index
      %get3A_651 = arith.constant 0 : index
      %get3A_652 = tpu.vector_load %arg5[%get3A, %get3A_651] {strides = array<i32>} : memref<200x128xf32, #tpu.memory_space<vmem>>, vector<1x16xf32>,
      %get3A_653 = vector.shape_cast %get3A_652 : vector<1x16xf32> to vector<16xf32>
      %add3A_654 = arith.addf %scan3A_643, %get3A_653 : vector<16xf32>
      %get3A_655 = arith.index_cast %scan3A_642 : i32 to index
      %get3A_656 = arith.constant 16 : index
      %get3A_657 = tpu.vector_load %arg5[%get3A_655, %get3A_656] {strides = array<i32>} : memref<200x128xf32, #tpu.memory_space<vmem>>, vector<1x16xf32>,
      %get3A_658 = vector.shape_cast %get3A_657 : vector<1x16xf32> to vector<16xf32>
      %add3A_659 = arith.addf %scan3A_644, %get3A_658 : vector<16xf32>
      %get3A_660 = arith.index_cast %scan3A_642 : i32 to index
      %get3A_661 = arith.constant 32 : index
      %get3A_662 = tpu.vector_load %arg5[%get3A_660, %get3A_661] {strides = array<i32>} : memref<200x128xf32, #tpu.memory_space<vmem>>, vector<1x16xf32>,
      %get3A_663 = vector.shape_cast %get3A_662 : vector<1x16xf32> to vector<16xf32>
      %add3A_664 = arith.addf %scan3A_645, %get3A_663 : vector<16xf32>
      %get3A_665 = arith.index_cast %scan3A_642 : i32 to index
      %get3A_666 = arith.constant 48 : index
      %get3A_667 = tpu.vector_load %arg5[%get3A_665, %get3A_666] {strides = array<i32>} : memref<200x128xf32, #tpu.memory_space<vmem>>, vector<1x16xf32>,
      %get3A_668 = vector.shape_cast %get3A_667 : vector<1x16xf32> to vector<16xf32>
      %add3A_669 = arith.addf %scan3A_646, %get3A_668 : vector<16xf32>
      %get3A_670 = arith.index_cast %scan3A_642 : i32 to index
      %get3A_671 = arith.constant 64 : index
      %get3A_672 = tpu.vector_load %arg5[%get3A_670, %get3A_671] {strides = array<i32>} : memref<200x128xf32, #tpu.memory_space<vmem>>, vector<1x16xf32>,
      %get3A_673 = vector.shape_cast %get3A_672 : vector<1x16xf32> to vector<16xf32>
      %add3A_674 = arith.addf %scan3A_647, %get3A_673 : vector<16xf32>
      %get3A_675 = arith.index_cast %scan3A_642 : i32 to index
      %get3A_676 = arith.constant 80 : index
      %get3A_677 = tpu.vector_load %arg5[%get3A_675, %get3A_676] {strides = array<i32>} : memref<200x128xf32, #tpu.memory_space<vmem>>, vector<1x16xf32>,
      %get3A_678 = vector.shape_cast %get3A_677 : vector<1x16xf32> to vector<16xf32>
      %add3A_679 = arith.addf %scan3A_648, %get3A_678 : vector<16xf32>
      %get3A_680 = arith.index_cast %scan3A_642 : i32 to index
      %get3A_681 = arith.constant 96 : index
      %get3A_682 = tpu.vector_load %arg5[%get3A_680, %get3A_681] {strides = array<i32>} : memref<200x128xf32, #tpu.memory_space<vmem>>, vector<1x16xf32>,
      %get3A_683 = vector.shape_cast %get3A_682 : vector<1x16xf32> to vector<16xf32>
      %add3A_684 = arith.addf %scan3A_649, %get3A_683 : vector<16xf32>
      %get3A_685 = arith.index_cast %scan3A_642 : i32 to index
      %get3A_686 = arith.constant 112 : index
      %get3A_687 = tpu.vector_load %arg5[%get3A_685, %get3A_686] {strides = array<i32>} : memref<200x128xf32, #tpu.memory_space<vmem>>, vector<1x16xf32>,
      %get3A_688 = vector.shape_cast %get3A_687 : vector<1x16xf32> to vector<16xf32>
      %add3A_689 = arith.addf %scan3A_650, %get3A_688 : vector<16xf32>
      scf.yield %add3A_654, %add3A_659, %add3A_664, %add3A_669, %add3A_674, %add3A_679, %add3A_684, %add3A_689 : vector<16xf32>, vector<16xf32>, vector<16xf32>, vector<16xf32>, vector<16xf32>, vector<16xf32>, vector<16xf32>, vector<16xf32>
    }
    %scan3A_52 = arith.constant 200 : i32
    %add3A_53 = arith.constant 600 : i32
    %add3A_54 = arith.addi %add3A_4, %add3A_53 : i32
    %dma_start3A_55 = arith.constant 0 : i32
    %dma_start3A_56 = tpu.memref_slice %arg2[%add3A_54, %dma_start3A_55] : memref<320000x128xf32, #tpu.memory_space<hbm>> -> memref<200x128xf32, #tpu.memory_space<hbm>>
    %dma_start3A_57 = arith.constant 0 : i32
    %dma_start3A_58 = tpu.memref_slice %arg2[%add3A_54, %dma_start3A_57] : memref<320000x128xf32, #tpu.memory_space<hbm>> -> memref<200x128xf32, #tpu.memory_space<hbm>>
    tpu.enqueue_dma source(%dma_start3A_58 : memref<200x128xf32, #tpu.memory_space<hbm>>) target(%arg5 : memref<200x128xf32, #tpu.memory_space<vmem>>) target_semaphore(%arg8 : memref<!tpu.dma_semaphore, #tpu.memory_space<semaphore_mem>>)
    %dma_wait3A_59 = arith.constant 0 : i32
    %dma_wait3A_60 = tpu.memref_slice %arg2[%add3A_38, %dma_wait3A_59] : memref<320000x128xf32, #tpu.memory_space<hbm>> -> memref<200x128xf32, #tpu.memory_space<hbm>>
    %dma_wait3A_61 = arith.constant 0 : i32
    %dma_wait3A_62 = tpu.memref_slice %arg2[%add3A_38, %dma_wait3A_61] : memref<320000x128xf32, #tpu.memory_space<hbm>> -> memref<200x128xf32, #tpu.memory_space<hbm>>
    tpu.wait_dma2 semaphore(%arg7 : memref<!tpu.dma_semaphore, #tpu.memory_space<semaphore_mem>>) src(%dma_wait3A_62 : memref<200x128xf32, #tpu.memory_space<hbm>>) dst(%arg4 : memref<200x128xf32, #tpu.memory_space<vmem>>)
    %scan3A_63 = arith.constant 0 : i32
    %scan3A_64 = arith.constant 200 : i32
    %scan3A_65 = arith.addi %scan3A_63, %scan3A_64 : i32
    %scan3A_66 = arith.constant 1 : i32
    %scan3A_67:8 = scf.for %scan3A_642 = %scan3A_63 to %scan3A_65 step %scan3A_66 iter_args(%scan3A_643 = %scan3A_51#0, %scan3A_644 = %scan3A_51#1, %scan3A_645 = %scan3A_51#2, %scan3A_646 = %scan3A_51#3, %scan3A_647 = %scan3A_51#4, %scan3A_648 = %scan3A_51#5, %scan3A_649 = %scan3A_51#6, %scan3A_650 = %scan3A_51#7) -> (vector<16xf32>, vector<16xf32>, vector<16xf32>, vector<16xf32>, vector<16xf32>, vector<16xf32>, vector<16xf32>, vector<16xf32>)  : i32 {
      %get3A = arith.index_cast %scan3A_642 : i32 to index
      %get3A_651 = arith.constant 0 : index
      %get3A_652 = tpu.vector_load %arg4[%get3A, %get3A_651] {strides = array<i32>} : memref<200x128xf32, #tpu.memory_space<vmem>>, vector<1x16xf32>,
      %get3A_653 = vector.shape_cast %get3A_652 : vector<1x16xf32> to vector<16xf32>
      %add3A_654 = arith.addf %scan3A_643, %get3A_653 : vector<16xf32>
      %get3A_655 = arith.index_cast %scan3A_642 : i32 to index
      %get3A_656 = arith.constant 16 : index
      %get3A_657 = tpu.vector_load %arg4[%get3A_655, %get3A_656] {strides = array<i32>} : memref<200x128xf32, #tpu.memory_space<vmem>>, vector<1x16xf32>,
      %get3A_658 = vector.shape_cast %get3A_657 : vector<1x16xf32> to vector<16xf32>
      %add3A_659 = arith.addf %scan3A_644, %get3A_658 : vector<16xf32>
      %get3A_660 = arith.index_cast %scan3A_642 : i32 to index
      %get3A_661 = arith.constant 32 : index
      %get3A_662 = tpu.vector_load %arg4[%get3A_660, %get3A_661] {strides = array<i32>} : memref<200x128xf32, #tpu.memory_space<vmem>>, vector<1x16xf32>,
      %get3A_663 = vector.shape_cast %get3A_662 : vector<1x16xf32> to vector<16xf32>
      %add3A_664 = arith.addf %scan3A_645, %get3A_663 : vector<16xf32>
      %get3A_665 = arith.index_cast %scan3A_642 : i32 to index
      %get3A_666 = arith.constant 48 : index
      %get3A_667 = tpu.vector_load %arg4[%get3A_665, %get3A_666] {strides = array<i32>} : memref<200x128xf32, #tpu.memory_space<vmem>>, vector<1x16xf32>,
      %get3A_668 = vector.shape_cast %get3A_667 : vector<1x16xf32> to vector<16xf32>
      %add3A_669 = arith.addf %scan3A_646, %get3A_668 : vector<16xf32>
      %get3A_670 = arith.index_cast %scan3A_642 : i32 to index
      %get3A_671 = arith.constant 64 : index
      %get3A_672 = tpu.vector_load %arg4[%get3A_670, %get3A_671] {strides = array<i32>} : memref<200x128xf32, #tpu.memory_space<vmem>>, vector<1x16xf32>,
      %get3A_673 = vector.shape_cast %get3A_672 : vector<1x16xf32> to vector<16xf32>
      %add3A_674 = arith.addf %scan3A_647, %get3A_673 : vector<16xf32>
      %get3A_675 = arith.index_cast %scan3A_642 : i32 to index
      %get3A_676 = arith.constant 80 : index
      %get3A_677 = tpu.vector_load %arg4[%get3A_675, %get3A_676] {strides = array<i32>} : memref<200x128xf32, #tpu.memory_space<vmem>>, vector<1x16xf32>,
      %get3A_678 = vector.shape_cast %get3A_677 : vector<1x16xf32> to vector<16xf32>
      %add3A_679 = arith.addf %scan3A_648, %get3A_678 : vector<16xf32>
      %get3A_680 = arith.index_cast %scan3A_642 : i32 to index
      %get3A_681 = arith.constant 96 : index
      %get3A_682 = tpu.vector_load %arg4[%get3A_680, %get3A_681] {strides = array<i32>} : memref<200x128xf32, #tpu.memory_space<vmem>>, vector<1x16xf32>,
      %get3A_683 = vector.shape_cast %get3A_682 : vector<1x16xf32> to vector<16xf32>
      %add3A_684 = arith.addf %scan3A_649, %get3A_683 : vector<16xf32>
      %get3A_685 = arith.index_cast %scan3A_642 : i32 to index
      %get3A_686 = arith.constant 112 : index
      %get3A_687 = tpu.vector_load %arg4[%get3A_685, %get3A_686] {strides = array<i32>} : memref<200x128xf32, #tpu.memory_space<vmem>>, vector<1x16xf32>,
      %get3A_688 = vector.shape_cast %get3A_687 : vector<1x16xf32> to vector<16xf32>
      %add3A_689 = arith.addf %scan3A_650, %get3A_688 : vector<16xf32>
      scf.yield %add3A_654, %add3A_659, %add3A_664, %add3A_669, %add3A_674, %add3A_679, %add3A_684, %add3A_689 : vector<16xf32>, vector<16xf32>, vector<16xf32>, vector<16xf32>, vector<16xf32>, vector<16xf32>, vector<16xf32>, vector<16xf32>
    }
    %scan3A_68 = arith.constant 200 : i32
    %add3A_69 = arith.constant 800 : i32
    %add3A_70 = arith.addi %add3A_4, %add3A_69 : i32
    %dma_start3A_71 = arith.constant 0 : i32
    %dma_start3A_72 = tpu.memref_slice %arg2[%add3A_70, %dma_start3A_71] : memref<320000x128xf32, #tpu.memory_space<hbm>> -> memref<200x128xf32, #tpu.memory_space<hbm>>
    %dma_start3A_73 = arith.constant 0 : i32
    %dma_start3A_74 = tpu.memref_slice %arg2[%add3A_70, %dma_start3A_73] : memref<320000x128xf32, #tpu.memory_space<hbm>> -> memref<200x128xf32, #tpu.memory_space<hbm>>
    tpu.enqueue_dma source(%dma_start3A_74 : memref<200x128xf32, #tpu.memory_space<hbm>>) target(%arg4 : memref<200x128xf32, #tpu.memory_space<vmem>>) target_semaphore(%arg7 : memref<!tpu.dma_semaphore, #tpu.memory_space<semaphore_mem>>)
    %dma_wait3A_75 = arith.constant 0 : i32
    %dma_wait3A_76 = tpu.memref_slice %arg2[%add3A_54, %dma_wait3A_75] : memref<320000x128xf32, #tpu.memory_space<hbm>> -> memref<200x128xf32, #tpu.memory_space<hbm>>
    %dma_wait3A_77 = arith.constant 0 : i32
    %dma_wait3A_78 = tpu.memref_slice %arg2[%add3A_54, %dma_wait3A_77] : memref<320000x128xf32, #tpu.memory_space<hbm>> -> memref<200x128xf32, #tpu.memory_space<hbm>>
    tpu.wait_dma2 semaphore(%arg8 : memref<!tpu.dma_semaphore, #tpu.memory_space<semaphore_mem>>) src(%dma_wait3A_78 : memref<200x128xf32, #tpu.memory_space<hbm>>) dst(%arg5 : memref<200x128xf32, #tpu.memory_space<vmem>>)
    %scan3A_79 = arith.constant 0 : i32
    %scan3A_80 = arith.constant 200 : i32
    %scan3A_81 = arith.addi %scan3A_79, %scan3A_80 : i32
    %scan3A_82 = arith.constant 1 : i32
    %scan3A_83:8 = scf.for %scan3A_642 = %scan3A_79 to %scan3A_81 step %scan3A_82 iter_args(%scan3A_643 = %scan3A_67#0, %scan3A_644 = %scan3A_67#1, %scan3A_645 = %scan3A_67#2, %scan3A_646 = %scan3A_67#3, %scan3A_647 = %scan3A_67#4, %scan3A_648 = %scan3A_67#5, %scan3A_649 = %scan3A_67#6, %scan3A_650 = %scan3A_67#7) -> (vector<16xf32>, vector<16xf32>, vector<16xf32>, vector<16xf32>, vector<16xf32>, vector<16xf32>, vector<16xf32>, vector<16xf32>)  : i32 {
      %get3A = arith.index_cast %scan3A_642 : i32 to index
      %get3A_651 = arith.constant 0 : index
      %get3A_652 = tpu.vector_load %arg5[%get3A, %get3A_651] {strides = array<i32>} : memref<200x128xf32, #tpu.memory_space<vmem>>, vector<1x16xf32>,
      %get3A_653 = vector.shape_cast %get3A_652 : vector<1x16xf32> to vector<16xf32>
      %add3A_654 = arith.addf %scan3A_643, %get3A_653 : vector<16xf32>
      %get3A_655 = arith.index_cast %scan3A_642 : i32 to index
      %get3A_656 = arith.constant 16 : index
      %get3A_657 = tpu.vector_load %arg5[%get3A_655, %get3A_656] {strides = array<i32>} : memref<200x128xf32, #tpu.memory_space<vmem>>, vector<1x16xf32>,
      %get3A_658 = vector.shape_cast %get3A_657 : vector<1x16xf32> to vector<16xf32>
      %add3A_659 = arith.addf %scan3A_644, %get3A_658 : vector<16xf32>
      %get3A_660 = arith.index_cast %scan3A_642 : i32 to index
      %get3A_661 = arith.constant 32 : index
      %get3A_662 = tpu.vector_load %arg5[%get3A_660, %get3A_661] {strides = array<i32>} : memref<200x128xf32, #tpu.memory_space<vmem>>, vector<1x16xf32>,
      %get3A_663 = vector.shape_cast %get3A_662 : vector<1x16xf32> to vector<16xf32>
      %add3A_664 = arith.addf %scan3A_645, %get3A_663 : vector<16xf32>
      %get3A_665 = arith.index_cast %scan3A_642 : i32 to index
      %get3A_666 = arith.constant 48 : index
      %get3A_667 = tpu.vector_load %arg5[%get3A_665, %get3A_666] {strides = array<i32>} : memref<200x128xf32, #tpu.memory_space<vmem>>, vector<1x16xf32>,
      %get3A_668 = vector.shape_cast %get3A_667 : vector<1x16xf32> to vector<16xf32>
      %add3A_669 = arith.addf %scan3A_646, %get3A_668 : vector<16xf32>
      %get3A_670 = arith.index_cast %scan3A_642 : i32 to index
      %get3A_671 = arith.constant 64 : index
      %get3A_672 = tpu.vector_load %arg5[%get3A_670, %get3A_671] {strides = array<i32>} : memref<200x128xf32, #tpu.memory_space<vmem>>, vector<1x16xf32>,
      %get3A_673 = vector.shape_cast %get3A_672 : vector<1x16xf32> to vector<16xf32>
      %add3A_674 = arith.addf %scan3A_647, %get3A_673 : vector<16xf32>
      %get3A_675 = arith.index_cast %scan3A_642 : i32 to index
      %get3A_676 = arith.constant 80 : index
      %get3A_677 = tpu.vector_load %arg5[%get3A_675, %get3A_676] {strides = array<i32>} : memref<200x128xf32, #tpu.memory_space<vmem>>, vector<1x16xf32>,
      %get3A_678 = vector.shape_cast %get3A_677 : vector<1x16xf32> to vector<16xf32>
      %add3A_679 = arith.addf %scan3A_648, %get3A_678 : vector<16xf32>
      %get3A_680 = arith.index_cast %scan3A_642 : i32 to index
      %get3A_681 = arith.constant 96 : index
      %get3A_682 = tpu.vector_load %arg5[%get3A_680, %get3A_681] {strides = array<i32>} : memref<200x128xf32, #tpu.memory_space<vmem>>, vector<1x16xf32>,
      %get3A_683 = vector.shape_cast %get3A_682 : vector<1x16xf32> to vector<16xf32>
      %add3A_684 = arith.addf %scan3A_649, %get3A_683 : vector<16xf32>
      %get3A_685 = arith.index_cast %scan3A_642 : i32 to index
      %get3A_686 = arith.constant 112 : index
      %get3A_687 = tpu.vector_load %arg5[%get3A_685, %get3A_686] {strides = array<i32>} : memref<200x128xf32, #tpu.memory_space<vmem>>, vector<1x16xf32>,
      %get3A_688 = vector.shape_cast %get3A_687 : vector<1x16xf32> to vector<16xf32>
      %add3A_689 = arith.addf %scan3A_650, %get3A_688 : vector<16xf32>
      scf.yield %add3A_654, %add3A_659, %add3A_664, %add3A_669, %add3A_674, %add3A_679, %add3A_684, %add3A_689 : vector<16xf32>, vector<16xf32>, vector<16xf32>, vector<16xf32>, vector<16xf32>, vector<16xf32>, vector<16xf32>, vector<16xf32>
    }
    %scan3A_84 = arith.constant 200 : i32
    %add3A_85 = arith.constant 1000 : i32
    %add3A_86 = arith.addi %add3A_4, %add3A_85 : i32
    %dma_start3A_87 = arith.constant 0 : i32
    %dma_start3A_88 = tpu.memref_slice %arg2[%add3A_86, %dma_start3A_87] : memref<320000x128xf32, #tpu.memory_space<hbm>> -> memref<200x128xf32, #tpu.memory_space<hbm>>
    %dma_start3A_89 = arith.constant 0 : i32
    %dma_start3A_90 = tpu.memref_slice %arg2[%add3A_86, %dma_start3A_89] : memref<320000x128xf32, #tpu.memory_space<hbm>> -> memref<200x128xf32, #tpu.memory_space<hbm>>
    tpu.enqueue_dma source(%dma_start3A_90 : memref<200x128xf32, #tpu.memory_space<hbm>>) target(%arg5 : memref<200x128xf32, #tpu.memory_space<vmem>>) target_semaphore(%arg8 : memref<!tpu.dma_semaphore, #tpu.memory_space<semaphore_mem>>)
    %dma_wait3A_91 = arith.constant 0 : i32
    %dma_wait3A_92 = tpu.memref_slice %arg2[%add3A_70, %dma_wait3A_91] : memref<320000x128xf32, #tpu.memory_space<hbm>> -> memref<200x128xf32, #tpu.memory_space<hbm>>
    %dma_wait3A_93 = arith.constant 0 : i32
    %dma_wait3A_94 = tpu.memref_slice %arg2[%add3A_70, %dma_wait3A_93] : memref<320000x128xf32, #tpu.memory_space<hbm>> -> memref<200x128xf32, #tpu.memory_space<hbm>>
    tpu.wait_dma2 semaphore(%arg7 : memref<!tpu.dma_semaphore, #tpu.memory_space<semaphore_mem>>) src(%dma_wait3A_94 : memref<200x128xf32, #tpu.memory_space<hbm>>) dst(%arg4 : memref<200x128xf32, #tpu.memory_space<vmem>>)
    %scan3A_95 = arith.constant 0 : i32
    %scan3A_96 = arith.constant 200 : i32
    %scan3A_97 = arith.addi %scan3A_95, %scan3A_96 : i32
    %scan3A_98 = arith.constant 1 : i32
    %scan3A_99:8 = scf.for %scan3A_642 = %scan3A_95 to %scan3A_97 step %scan3A_98 iter_args(%scan3A_643 = %scan3A_83#0, %scan3A_644 = %scan3A_83#1, %scan3A_645 = %scan3A_83#2, %scan3A_646 = %scan3A_83#3, %scan3A_647 = %scan3A_83#4, %scan3A_648 = %scan3A_83#5, %scan3A_649 = %scan3A_83#6, %scan3A_650 = %scan3A_83#7) -> (vector<16xf32>, vector<16xf32>, vector<16xf32>, vector<16xf32>, vector<16xf32>, vector<16xf32>, vector<16xf32>, vector<16xf32>)  : i32 {
      %get3A = arith.index_cast %scan3A_642 : i32 to index
      %get3A_651 = arith.constant 0 : index
      %get3A_652 = tpu.vector_load %arg4[%get3A, %get3A_651] {strides = array<i32>} : memref<200x128xf32, #tpu.memory_space<vmem>>, vector<1x16xf32>,
      %get3A_653 = vector.shape_cast %get3A_652 : vector<1x16xf32> to vector<16xf32>
      %add3A_654 = arith.addf %scan3A_643, %get3A_653 : vector<16xf32>
      %get3A_655 = arith.index_cast %scan3A_642 : i32 to index
      %get3A_656 = arith.constant 16 : index
      %get3A_657 = tpu.vector_load %arg4[%get3A_655, %get3A_656] {strides = array<i32>} : memref<200x128xf32, #tpu.memory_space<vmem>>, vector<1x16xf32>,
      %get3A_658 = vector.shape_cast %get3A_657 : vector<1x16xf32> to vector<16xf32>
      %add3A_659 = arith.addf %scan3A_644, %get3A_658 : vector<16xf32>
      %get3A_660 = arith.index_cast %scan3A_642 : i32 to index
      %get3A_661 = arith.constant 32 : index
      %get3A_662 = tpu.vector_load %arg4[%get3A_660, %get3A_661] {strides = array<i32>} : memref<200x128xf32, #tpu.memory_space<vmem>>, vector<1x16xf32>,
      %get3A_663 = vector.shape_cast %get3A_662 : vector<1x16xf32> to vector<16xf32>
      %add3A_664 = arith.addf %scan3A_645, %get3A_663 : vector<16xf32>
      %get3A_665 = arith.index_cast %scan3A_642 : i32 to index
      %get3A_666 = arith.constant 48 : index
      %get3A_667 = tpu.vector_load %arg4[%get3A_665, %get3A_666] {strides = array<i32>} : memref<200x128xf32, #tpu.memory_space<vmem>>, vector<1x16xf32>,
      %get3A_668 = vector.shape_cast %get3A_667 : vector<1x16xf32> to vector<16xf32>
      %add3A_669 = arith.addf %scan3A_646, %get3A_668 : vector<16xf32>
      %get3A_670 = arith.index_cast %scan3A_642 : i32 to index
      %get3A_671 = arith.constant 64 : index
      %get3A_672 = tpu.vector_load %arg4[%get3A_670, %get3A_671] {strides = array<i32>} : memref<200x128xf32, #tpu.memory_space<vmem>>, vector<1x16xf32>,
      %get3A_673 = vector.shape_cast %get3A_672 : vector<1x16xf32> to vector<16xf32>
      %add3A_674 = arith.addf %scan3A_647, %get3A_673 : vector<16xf32>
      %get3A_675 = arith.index_cast %scan3A_642 : i32 to index
      %get3A_676 = arith.constant 80 : index
      %get3A_677 = tpu.vector_load %arg4[%get3A_675, %get3A_676] {strides = array<i32>} : memref<200x128xf32, #tpu.memory_space<vmem>>, vector<1x16xf32>,
      %get3A_678 = vector.shape_cast %get3A_677 : vector<1x16xf32> to vector<16xf32>
      %add3A_679 = arith.addf %scan3A_648, %get3A_678 : vector<16xf32>
      %get3A_680 = arith.index_cast %scan3A_642 : i32 to index
      %get3A_681 = arith.constant 96 : index
      %get3A_682 = tpu.vector_load %arg4[%get3A_680, %get3A_681] {strides = array<i32>} : memref<200x128xf32, #tpu.memory_space<vmem>>, vector<1x16xf32>,
      %get3A_683 = vector.shape_cast %get3A_682 : vector<1x16xf32> to vector<16xf32>
      %add3A_684 = arith.addf %scan3A_649, %get3A_683 : vector<16xf32>
      %get3A_685 = arith.index_cast %scan3A_642 : i32 to index
      %get3A_686 = arith.constant 112 : index
      %get3A_687 = tpu.vector_load %arg4[%get3A_685, %get3A_686] {strides = array<i32>} : memref<200x128xf32, #tpu.memory_space<vmem>>, vector<1x16xf32>,
      %get3A_688 = vector.shape_cast %get3A_687 : vector<1x16xf32> to vector<16xf32>
      %add3A_689 = arith.addf %scan3A_650, %get3A_688 : vector<16xf32>
      scf.yield %add3A_654, %add3A_659, %add3A_664, %add3A_669, %add3A_674, %add3A_679, %add3A_684, %add3A_689 : vector<16xf32>, vector<16xf32>, vector<16xf32>, vector<16xf32>, vector<16xf32>, vector<16xf32>, vector<16xf32>, vector<16xf32>
    }
    %scan3A_100 = arith.constant 200 : i32
    %add3A_101 = arith.constant 1200 : i32
    %add3A_102 = arith.addi %add3A_4, %add3A_101 : i32
    %dma_start3A_103 = arith.constant 0 : i32
    %dma_start3A_104 = tpu.memref_slice %arg2[%add3A_102, %dma_start3A_103] : memref<320000x128xf32, #tpu.memory_space<hbm>> -> memref<200x128xf32, #tpu.memory_space<hbm>>
    %dma_start3A_105 = arith.constant 0 : i32
    %dma_start3A_106 = tpu.memref_slice %arg2[%add3A_102, %dma_start3A_105] : memref<320000x128xf32, #tpu.memory_space<hbm>> -> memref<200x128xf32, #tpu.memory_space<hbm>>
    tpu.enqueue_dma source(%dma_start3A_106 : memref<200x128xf32, #tpu.memory_space<hbm>>) target(%arg4 : memref<200x128xf32, #tpu.memory_space<vmem>>) target_semaphore(%arg7 : memref<!tpu.dma_semaphore, #tpu.memory_space<semaphore_mem>>)
    %dma_wait3A_107 = arith.constant 0 : i32
    %dma_wait3A_108 = tpu.memref_slice %arg2[%add3A_86, %dma_wait3A_107] : memref<320000x128xf32, #tpu.memory_space<hbm>> -> memref<200x128xf32, #tpu.memory_space<hbm>>
    %dma_wait3A_109 = arith.constant 0 : i32
    %dma_wait3A_110 = tpu.memref_slice %arg2[%add3A_86, %dma_wait3A_109] : memref<320000x128xf32, #tpu.memory_space<hbm>> -> memref<200x128xf32, #tpu.memory_space<hbm>>
    tpu.wait_dma2 semaphore(%arg8 : memref<!tpu.dma_semaphore, #tpu.memory_space<semaphore_mem>>) src(%dma_wait3A_110 : memref<200x128xf32, #tpu.memory_space<hbm>>) dst(%arg5 : memref<200x128xf32, #tpu.memory_space<vmem>>)
    %scan3A_111 = arith.constant 0 : i32
    %scan3A_112 = arith.constant 200 : i32
    %scan3A_113 = arith.addi %scan3A_111, %scan3A_112 : i32
    %scan3A_114 = arith.constant 1 : i32
    %scan3A_115:8 = scf.for %scan3A_642 = %scan3A_111 to %scan3A_113 step %scan3A_114 iter_args(%scan3A_643 = %scan3A_99#0, %scan3A_644 = %scan3A_99#1, %scan3A_645 = %scan3A_99#2, %scan3A_646 = %scan3A_99#3, %scan3A_647 = %scan3A_99#4, %scan3A_648 = %scan3A_99#5, %scan3A_649 = %scan3A_99#6, %scan3A_650 = %scan3A_99#7) -> (vector<16xf32>, vector<16xf32>, vector<16xf32>, vector<16xf32>, vector<16xf32>, vector<16xf32>, vector<16xf32>, vector<16xf32>)  : i32 {
      %get3A = arith.index_cast %scan3A_642 : i32 to index
      %get3A_651 = arith.constant 0 : index
      %get3A_652 = tpu.vector_load %arg5[%get3A, %get3A_651] {strides = array<i32>} : memref<200x128xf32, #tpu.memory_space<vmem>>, vector<1x16xf32>,
      %get3A_653 = vector.shape_cast %get3A_652 : vector<1x16xf32> to vector<16xf32>
      %add3A_654 = arith.addf %scan3A_643, %get3A_653 : vector<16xf32>
      %get3A_655 = arith.index_cast %scan3A_642 : i32 to index
      %get3A_656 = arith.constant 16 : index
      %get3A_657 = tpu.vector_load %arg5[%get3A_655, %get3A_656] {strides = array<i32>} : memref<200x128xf32, #tpu.memory_space<vmem>>, vector<1x16xf32>,
      %get3A_658 = vector.shape_cast %get3A_657 : vector<1x16xf32> to vector<16xf32>
      %add3A_659 = arith.addf %scan3A_644, %get3A_658 : vector<16xf32>
      %get3A_660 = arith.index_cast %scan3A_642 : i32 to index
      %get3A_661 = arith.constant 32 : index
      %get3A_662 = tpu.vector_load %arg5[%get3A_660, %get3A_661] {strides = array<i32>} : memref<200x128xf32, #tpu.memory_space<vmem>>, vector<1x16xf32>,
      %get3A_663 = vector.shape_cast %get3A_662 : vector<1x16xf32> to vector<16xf32>
      %add3A_664 = arith.addf %scan3A_645, %get3A_663 : vector<16xf32>
      %get3A_665 = arith.index_cast %scan3A_642 : i32 to index
      %get3A_666 = arith.constant 48 : index
      %get3A_667 = tpu.vector_load %arg5[%get3A_665, %get3A_666] {strides = array<i32>} : memref<200x128xf32, #tpu.memory_space<vmem>>, vector<1x16xf32>,
      %get3A_668 = vector.shape_cast %get3A_667 : vector<1x16xf32> to vector<16xf32>
      %add3A_669 = arith.addf %scan3A_646, %get3A_668 : vector<16xf32>
      %get3A_670 = arith.index_cast %scan3A_642 : i32 to index
      %get3A_671 = arith.constant 64 : index
      %get3A_672 = tpu.vector_load %arg5[%get3A_670, %get3A_671] {strides = array<i32>} : memref<200x128xf32, #tpu.memory_space<vmem>>, vector<1x16xf32>,
      %get3A_673 = vector.shape_cast %get3A_672 : vector<1x16xf32> to vector<16xf32>
      %add3A_674 = arith.addf %scan3A_647, %get3A_673 : vector<16xf32>
      %get3A_675 = arith.index_cast %scan3A_642 : i32 to index
      %get3A_676 = arith.constant 80 : index
      %get3A_677 = tpu.vector_load %arg5[%get3A_675, %get3A_676] {strides = array<i32>} : memref<200x128xf32, #tpu.memory_space<vmem>>, vector<1x16xf32>,
      %get3A_678 = vector.shape_cast %get3A_677 : vector<1x16xf32> to vector<16xf32>
      %add3A_679 = arith.addf %scan3A_648, %get3A_678 : vector<16xf32>
      %get3A_680 = arith.index_cast %scan3A_642 : i32 to index
      %get3A_681 = arith.constant 96 : index
      %get3A_682 = tpu.vector_load %arg5[%get3A_680, %get3A_681] {strides = array<i32>} : memref<200x128xf32, #tpu.memory_space<vmem>>, vector<1x16xf32>,
      %get3A_683 = vector.shape_cast %get3A_682 : vector<1x16xf32> to vector<16xf32>
      %add3A_684 = arith.addf %scan3A_649, %get3A_683 : vector<16xf32>
      %get3A_685 = arith.index_cast %scan3A_642 : i32 to index
      %get3A_686 = arith.constant 112 : index
      %get3A_687 = tpu.vector_load %arg5[%get3A_685, %get3A_686] {strides = array<i32>} : memref<200x128xf32, #tpu.memory_space<vmem>>, vector<1x16xf32>,
      %get3A_688 = vector.shape_cast %get3A_687 : vector<1x16xf32> to vector<16xf32>
      %add3A_689 = arith.addf %scan3A_650, %get3A_688 : vector<16xf32>
      scf.yield %add3A_654, %add3A_659, %add3A_664, %add3A_669, %add3A_674, %add3A_679, %add3A_684, %add3A_689 : vector<16xf32>, vector<16xf32>, vector<16xf32>, vector<16xf32>, vector<16xf32>, vector<16xf32>, vector<16xf32>, vector<16xf32>
    }
    %scan3A_116 = arith.constant 200 : i32
    %add3A_117 = arith.constant 1400 : i32
    %add3A_118 = arith.addi %add3A_4, %add3A_117 : i32
    %dma_start3A_119 = arith.constant 0 : i32
    %dma_start3A_120 = tpu.memref_slice %arg2[%add3A_118, %dma_start3A_119] : memref<320000x128xf32, #tpu.memory_space<hbm>> -> memref<200x128xf32, #tpu.memory_space<hbm>>
    %dma_start3A_121 = arith.constant 0 : i32
    %dma_start3A_122 = tpu.memref_slice %arg2[%add3A_118, %dma_start3A_121] : memref<320000x128xf32, #tpu.memory_space<hbm>> -> memref<200x128xf32, #tpu.memory_space<hbm>>
    tpu.enqueue_dma source(%dma_start3A_122 : memref<200x128xf32, #tpu.memory_space<hbm>>) target(%arg5 : memref<200x128xf32, #tpu.memory_space<vmem>>) target_semaphore(%arg8 : memref<!tpu.dma_semaphore, #tpu.memory_space<semaphore_mem>>)
    %dma_wait3A_123 = arith.constant 0 : i32
    %dma_wait3A_124 = tpu.memref_slice %arg2[%add3A_102, %dma_wait3A_123] : memref<320000x128xf32, #tpu.memory_space<hbm>> -> memref<200x128xf32, #tpu.memory_space<hbm>>
    %dma_wait3A_125 = arith.constant 0 : i32
    %dma_wait3A_126 = tpu.memref_slice %arg2[%add3A_102, %dma_wait3A_125] : memref<320000x128xf32, #tpu.memory_space<hbm>> -> memref<200x128xf32, #tpu.memory_space<hbm>>
    tpu.wait_dma2 semaphore(%arg7 : memref<!tpu.dma_semaphore, #tpu.memory_space<semaphore_mem>>) src(%dma_wait3A_126 : memref<200x128xf32, #tpu.memory_space<hbm>>) dst(%arg4 : memref<200x128xf32, #tpu.memory_space<vmem>>)
    %scan3A_127 = arith.constant 0 : i32
    %scan3A_128 = arith.constant 200 : i32
    %scan3A_129 = arith.addi %scan3A_127, %scan3A_128 : i32
    %scan3A_130 = arith.constant 1 : i32
    %scan3A_131:8 = scf.for %scan3A_642 = %scan3A_127 to %scan3A_129 step %scan3A_130 iter_args(%scan3A_643 = %scan3A_115#0, %scan3A_644 = %scan3A_115#1, %scan3A_645 = %scan3A_115#2, %scan3A_646 = %scan3A_115#3, %scan3A_647 = %scan3A_115#4, %scan3A_648 = %scan3A_115#5, %scan3A_649 = %scan3A_115#6, %scan3A_650 = %scan3A_115#7) -> (vector<16xf32>, vector<16xf32>, vector<16xf32>, vector<16xf32>, vector<16xf32>, vector<16xf32>, vector<16xf32>, vector<16xf32>)  : i32 {
      %get3A = arith.index_cast %scan3A_642 : i32 to index
      %get3A_651 = arith.constant 0 : index
      %get3A_652 = tpu.vector_load %arg4[%get3A, %get3A_651] {strides = array<i32>} : memref<200x128xf32, #tpu.memory_space<vmem>>, vector<1x16xf32>,
      %get3A_653 = vector.shape_cast %get3A_652 : vector<1x16xf32> to vector<16xf32>
      %add3A_654 = arith.addf %scan3A_643, %get3A_653 : vector<16xf32>
      %get3A_655 = arith.index_cast %scan3A_642 : i32 to index
      %get3A_656 = arith.constant 16 : index
      %get3A_657 = tpu.vector_load %arg4[%get3A_655, %get3A_656] {strides = array<i32>} : memref<200x128xf32, #tpu.memory_space<vmem>>, vector<1x16xf32>,
      %get3A_658 = vector.shape_cast %get3A_657 : vector<1x16xf32> to vector<16xf32>
      %add3A_659 = arith.addf %scan3A_644, %get3A_658 : vector<16xf32>
      %get3A_660 = arith.index_cast %scan3A_642 : i32 to index
      %get3A_661 = arith.constant 32 : index
      %get3A_662 = tpu.vector_load %arg4[%get3A_660, %get3A_661] {strides = array<i32>} : memref<200x128xf32, #tpu.memory_space<vmem>>, vector<1x16xf32>,
      %get3A_663 = vector.shape_cast %get3A_662 : vector<1x16xf32> to vector<16xf32>
      %add3A_664 = arith.addf %scan3A_645, %get3A_663 : vector<16xf32>
      %get3A_665 = arith.index_cast %scan3A_642 : i32 to index
      %get3A_666 = arith.constant 48 : index
      %get3A_667 = tpu.vector_load %arg4[%get3A_665, %get3A_666] {strides = array<i32>} : memref<200x128xf32, #tpu.memory_space<vmem>>, vector<1x16xf32>,
      %get3A_668 = vector.shape_cast %get3A_667 : vector<1x16xf32> to vector<16xf32>
      %add3A_669 = arith.addf %scan3A_646, %get3A_668 : vector<16xf32>
      %get3A_670 = arith.index_cast %scan3A_642 : i32 to index
      %get3A_671 = arith.constant 64 : index
      %get3A_672 = tpu.vector_load %arg4[%get3A_670, %get3A_671] {strides = array<i32>} : memref<200x128xf32, #tpu.memory_space<vmem>>, vector<1x16xf32>,
      %get3A_673 = vector.shape_cast %get3A_672 : vector<1x16xf32> to vector<16xf32>
      %add3A_674 = arith.addf %scan3A_647, %get3A_673 : vector<16xf32>
      %get3A_675 = arith.index_cast %scan3A_642 : i32 to index
      %get3A_676 = arith.constant 80 : index
      %get3A_677 = tpu.vector_load %arg4[%get3A_675, %get3A_676] {strides = array<i32>} : memref<200x128xf32, #tpu.memory_space<vmem>>, vector<1x16xf32>,
      %get3A_678 = vector.shape_cast %get3A_677 : vector<1x16xf32> to vector<16xf32>
      %add3A_679 = arith.addf %scan3A_648, %get3A_678 : vector<16xf32>
      %get3A_680 = arith.index_cast %scan3A_642 : i32 to index
      %get3A_681 = arith.constant 96 : index
      %get3A_682 = tpu.vector_load %arg4[%get3A_680, %get3A_681] {strides = array<i32>} : memref<200x128xf32, #tpu.memory_space<vmem>>, vector<1x16xf32>,
      %get3A_683 = vector.shape_cast %get3A_682 : vector<1x16xf32> to vector<16xf32>
      %add3A_684 = arith.addf %scan3A_649, %get3A_683 : vector<16xf32>
      %get3A_685 = arith.index_cast %scan3A_642 : i32 to index
      %get3A_686 = arith.constant 112 : index
      %get3A_687 = tpu.vector_load %arg4[%get3A_685, %get3A_686] {strides = array<i32>} : memref<200x128xf32, #tpu.memory_space<vmem>>, vector<1x16xf32>,
      %get3A_688 = vector.shape_cast %get3A_687 : vector<1x16xf32> to vector<16xf32>
      %add3A_689 = arith.addf %scan3A_650, %get3A_688 : vector<16xf32>
      scf.yield %add3A_654, %add3A_659, %add3A_664, %add3A_669, %add3A_674, %add3A_679, %add3A_684, %add3A_689 : vector<16xf32>, vector<16xf32>, vector<16xf32>, vector<16xf32>, vector<16xf32>, vector<16xf32>, vector<16xf32>, vector<16xf32>
    }
    %scan3A_132 = arith.constant 200 : i32
    %add3A_133 = arith.constant 1600 : i32
    %add3A_134 = arith.addi %add3A_4, %add3A_133 : i32
    %dma_start3A_135 = arith.constant 0 : i32
    %dma_start3A_136 = tpu.memref_slice %arg2[%add3A_134, %dma_start3A_135] : memref<320000x128xf32, #tpu.memory_space<hbm>> -> memref<200x128xf32, #tpu.memory_space<hbm>>
    %dma_start3A_137 = arith.constant 0 : i32
    %dma_start3A_138 = tpu.memref_slice %arg2[%add3A_134, %dma_start3A_137] : memref<320000x128xf32, #tpu.memory_space<hbm>> -> memref<200x128xf32, #tpu.memory_space<hbm>>
    tpu.enqueue_dma source(%dma_start3A_138 : memref<200x128xf32, #tpu.memory_space<hbm>>) target(%arg4 : memref<200x128xf32, #tpu.memory_space<vmem>>) target_semaphore(%arg7 : memref<!tpu.dma_semaphore, #tpu.memory_space<semaphore_mem>>)
    %dma_wait3A_139 = arith.constant 0 : i32
    %dma_wait3A_140 = tpu.memref_slice %arg2[%add3A_118, %dma_wait3A_139] : memref<320000x128xf32, #tpu.memory_space<hbm>> -> memref<200x128xf32, #tpu.memory_space<hbm>>
    %dma_wait3A_141 = arith.constant 0 : i32
    %dma_wait3A_142 = tpu.memref_slice %arg2[%add3A_118, %dma_wait3A_141] : memref<320000x128xf32, #tpu.memory_space<hbm>> -> memref<200x128xf32, #tpu.memory_space<hbm>>
    tpu.wait_dma2 semaphore(%arg8 : memref<!tpu.dma_semaphore, #tpu.memory_space<semaphore_mem>>) src(%dma_wait3A_142 : memref<200x128xf32, #tpu.memory_space<hbm>>) dst(%arg5 : memref<200x128xf32, #tpu.memory_space<vmem>>)
    %scan3A_143 = arith.constant 0 : i32
    %scan3A_144 = arith.constant 200 : i32
    %scan3A_145 = arith.addi %scan3A_143, %scan3A_144 : i32
    %scan3A_146 = arith.constant 1 : i32
    %scan3A_147:8 = scf.for %scan3A_642 = %scan3A_143 to %scan3A_145 step %scan3A_146 iter_args(%scan3A_643 = %scan3A_131#0, %scan3A_644 = %scan3A_131#1, %scan3A_645 = %scan3A_131#2, %scan3A_646 = %scan3A_131#3, %scan3A_647 = %scan3A_131#4, %scan3A_648 = %scan3A_131#5, %scan3A_649 = %scan3A_131#6, %scan3A_650 = %scan3A_131#7) -> (vector<16xf32>, vector<16xf32>, vector<16xf32>, vector<16xf32>, vector<16xf32>, vector<16xf32>, vector<16xf32>, vector<16xf32>)  : i32 {
      %get3A = arith.index_cast %scan3A_642 : i32 to index
      %get3A_651 = arith.constant 0 : index
      %get3A_652 = tpu.vector_load %arg5[%get3A, %get3A_651] {strides = array<i32>} : memref<200x128xf32, #tpu.memory_space<vmem>>, vector<1x16xf32>,
      %get3A_653 = vector.shape_cast %get3A_652 : vector<1x16xf32> to vector<16xf32>
      %add3A_654 = arith.addf %scan3A_643, %get3A_653 : vector<16xf32>
      %get3A_655 = arith.index_cast %scan3A_642 : i32 to index
      %get3A_656 = arith.constant 16 : index
      %get3A_657 = tpu.vector_load %arg5[%get3A_655, %get3A_656] {strides = array<i32>} : memref<200x128xf32, #tpu.memory_space<vmem>>, vector<1x16xf32>,
      %get3A_658 = vector.shape_cast %get3A_657 : vector<1x16xf32> to vector<16xf32>
      %add3A_659 = arith.addf %scan3A_644, %get3A_658 : vector<16xf32>
      %get3A_660 = arith.index_cast %scan3A_642 : i32 to index
      %get3A_661 = arith.constant 32 : index
      %get3A_662 = tpu.vector_load %arg5[%get3A_660, %get3A_661] {strides = array<i32>} : memref<200x128xf32, #tpu.memory_space<vmem>>, vector<1x16xf32>,
      %get3A_663 = vector.shape_cast %get3A_662 : vector<1x16xf32> to vector<16xf32>
      %add3A_664 = arith.addf %scan3A_645, %get3A_663 : vector<16xf32>
      %get3A_665 = arith.index_cast %scan3A_642 : i32 to index
      %get3A_666 = arith.constant 48 : index
      %get3A_667 = tpu.vector_load %arg5[%get3A_665, %get3A_666] {strides = array<i32>} : memref<200x128xf32, #tpu.memory_space<vmem>>, vector<1x16xf32>,
      %get3A_668 = vector.shape_cast %get3A_667 : vector<1x16xf32> to vector<16xf32>
      %add3A_669 = arith.addf %scan3A_646, %get3A_668 : vector<16xf32>
      %get3A_670 = arith.index_cast %scan3A_642 : i32 to index
      %get3A_671 = arith.constant 64 : index
      %get3A_672 = tpu.vector_load %arg5[%get3A_670, %get3A_671] {strides = array<i32>} : memref<200x128xf32, #tpu.memory_space<vmem>>, vector<1x16xf32>,
      %get3A_673 = vector.shape_cast %get3A_672 : vector<1x16xf32> to vector<16xf32>
      %add3A_674 = arith.addf %scan3A_647, %get3A_673 : vector<16xf32>
      %get3A_675 = arith.index_cast %scan3A_642 : i32 to index
      %get3A_676 = arith.constant 80 : index
      %get3A_677 = tpu.vector_load %arg5[%get3A_675, %get3A_676] {strides = array<i32>} : memref<200x128xf32, #tpu.memory_space<vmem>>, vector<1x16xf32>,
      %get3A_678 = vector.shape_cast %get3A_677 : vector<1x16xf32> to vector<16xf32>
      %add3A_679 = arith.addf %scan3A_648, %get3A_678 : vector<16xf32>
      %get3A_680 = arith.index_cast %scan3A_642 : i32 to index
      %get3A_681 = arith.constant 96 : index
      %get3A_682 = tpu.vector_load %arg5[%get3A_680, %get3A_681] {strides = array<i32>} : memref<200x128xf32, #tpu.memory_space<vmem>>, vector<1x16xf32>,
      %get3A_683 = vector.shape_cast %get3A_682 : vector<1x16xf32> to vector<16xf32>
      %add3A_684 = arith.addf %scan3A_649, %get3A_683 : vector<16xf32>
      %get3A_685 = arith.index_cast %scan3A_642 : i32 to index
      %get3A_686 = arith.constant 112 : index
      %get3A_687 = tpu.vector_load %arg5[%get3A_685, %get3A_686] {strides = array<i32>} : memref<200x128xf32, #tpu.memory_space<vmem>>, vector<1x16xf32>,
      %get3A_688 = vector.shape_cast %get3A_687 : vector<1x16xf32> to vector<16xf32>
      %add3A_689 = arith.addf %scan3A_650, %get3A_688 : vector<16xf32>
      scf.yield %add3A_654, %add3A_659, %add3A_664, %add3A_669, %add3A_674, %add3A_679, %add3A_684, %add3A_689 : vector<16xf32>, vector<16xf32>, vector<16xf32>, vector<16xf32>, vector<16xf32>, vector<16xf32>, vector<16xf32>, vector<16xf32>
    }
    %scan3A_148 = arith.constant 200 : i32
    %add3A_149 = arith.constant 1800 : i32
    %add3A_150 = arith.addi %add3A_4, %add3A_149 : i32
    %dma_start3A_151 = arith.constant 0 : i32
    %dma_start3A_152 = tpu.memref_slice %arg2[%add3A_150, %dma_start3A_151] : memref<320000x128xf32, #tpu.memory_space<hbm>> -> memref<200x128xf32, #tpu.memory_space<hbm>>
    %dma_start3A_153 = arith.constant 0 : i32
    %dma_start3A_154 = tpu.memref_slice %arg2[%add3A_150, %dma_start3A_153] : memref<320000x128xf32, #tpu.memory_space<hbm>> -> memref<200x128xf32, #tpu.memory_space<hbm>>
    tpu.enqueue_dma source(%dma_start3A_154 : memref<200x128xf32, #tpu.memory_space<hbm>>) target(%arg5 : memref<200x128xf32, #tpu.memory_space<vmem>>) target_semaphore(%arg8 : memref<!tpu.dma_semaphore, #tpu.memory_space<semaphore_mem>>)
    %dma_wait3A_155 = arith.constant 0 : i32
    %dma_wait3A_156 = tpu.memref_slice %arg2[%add3A_134, %dma_wait3A_155] : memref<320000x128xf32, #tpu.memory_space<hbm>> -> memref<200x128xf32, #tpu.memory_space<hbm>>
    %dma_wait3A_157 = arith.constant 0 : i32
    %dma_wait3A_158 = tpu.memref_slice %arg2[%add3A_134, %dma_wait3A_157] : memref<320000x128xf32, #tpu.memory_space<hbm>> -> memref<200x128xf32, #tpu.memory_space<hbm>>
    tpu.wait_dma2 semaphore(%arg7 : memref<!tpu.dma_semaphore, #tpu.memory_space<semaphore_mem>>) src(%dma_wait3A_158 : memref<200x128xf32, #tpu.memory_space<hbm>>) dst(%arg4 : memref<200x128xf32, #tpu.memory_space<vmem>>)
    %scan3A_159 = arith.constant 0 : i32
    %scan3A_160 = arith.constant 200 : i32
    %scan3A_161 = arith.addi %scan3A_159, %scan3A_160 : i32
    %scan3A_162 = arith.constant 1 : i32
    %scan3A_163:8 = scf.for %scan3A_642 = %scan3A_159 to %scan3A_161 step %scan3A_162 iter_args(%scan3A_643 = %scan3A_147#0, %scan3A_644 = %scan3A_147#1, %scan3A_645 = %scan3A_147#2, %scan3A_646 = %scan3A_147#3, %scan3A_647 = %scan3A_147#4, %scan3A_648 = %scan3A_147#5, %scan3A_649 = %scan3A_147#6, %scan3A_650 = %scan3A_147#7) -> (vector<16xf32>, vector<16xf32>, vector<16xf32>, vector<16xf32>, vector<16xf32>, vector<16xf32>, vector<16xf32>, vector<16xf32>)  : i32 {
      %get3A = arith.index_cast %scan3A_642 : i32 to index
      %get3A_651 = arith.constant 0 : index
      %get3A_652 = tpu.vector_load %arg4[%get3A, %get3A_651] {strides = array<i32>} : memref<200x128xf32, #tpu.memory_space<vmem>>, vector<1x16xf32>,
      %get3A_653 = vector.shape_cast %get3A_652 : vector<1x16xf32> to vector<16xf32>
      %add3A_654 = arith.addf %scan3A_643, %get3A_653 : vector<16xf32>
      %get3A_655 = arith.index_cast %scan3A_642 : i32 to index
      %get3A_656 = arith.constant 16 : index
      %get3A_657 = tpu.vector_load %arg4[%get3A_655, %get3A_656] {strides = array<i32>} : memref<200x128xf32, #tpu.memory_space<vmem>>, vector<1x16xf32>,
      %get3A_658 = vector.shape_cast %get3A_657 : vector<1x16xf32> to vector<16xf32>
      %add3A_659 = arith.addf %scan3A_644, %get3A_658 : vector<16xf32>
      %get3A_660 = arith.index_cast %scan3A_642 : i32 to index
      %get3A_661 = arith.constant 32 : index
      %get3A_662 = tpu.vector_load %arg4[%get3A_660, %get3A_661] {strides = array<i32>} : memref<200x128xf32, #tpu.memory_space<vmem>>, vector<1x16xf32>,
      %get3A_663 = vector.shape_cast %get3A_662 : vector<1x16xf32> to vector<16xf32>
      %add3A_664 = arith.addf %scan3A_645, %get3A_663 : vector<16xf32>
      %get3A_665 = arith.index_cast %scan3A_642 : i32 to index
      %get3A_666 = arith.constant 48 : index
      %get3A_667 = tpu.vector_load %arg4[%get3A_665, %get3A_666] {strides = array<i32>} : memref<200x128xf32, #tpu.memory_space<vmem>>, vector<1x16xf32>,
      %get3A_668 = vector.shape_cast %get3A_667 : vector<1x16xf32> to vector<16xf32>
      %add3A_669 = arith.addf %scan3A_646, %get3A_668 : vector<16xf32>
      %get3A_670 = arith.index_cast %scan3A_642 : i32 to index
      %get3A_671 = arith.constant 64 : index
      %get3A_672 = tpu.vector_load %arg4[%get3A_670, %get3A_671] {strides = array<i32>} : memref<200x128xf32, #tpu.memory_space<vmem>>, vector<1x16xf32>,
      %get3A_673 = vector.shape_cast %get3A_672 : vector<1x16xf32> to vector<16xf32>
      %add3A_674 = arith.addf %scan3A_647, %get3A_673 : vector<16xf32>
      %get3A_675 = arith.index_cast %scan3A_642 : i32 to index
      %get3A_676 = arith.constant 80 : index
      %get3A_677 = tpu.vector_load %arg4[%get3A_675, %get3A_676] {strides = array<i32>} : memref<200x128xf32, #tpu.memory_space<vmem>>, vector<1x16xf32>,
      %get3A_678 = vector.shape_cast %get3A_677 : vector<1x16xf32> to vector<16xf32>
      %add3A_679 = arith.addf %scan3A_648, %get3A_678 : vector<16xf32>
      %get3A_680 = arith.index_cast %scan3A_642 : i32 to index
      %get3A_681 = arith.constant 96 : index
      %get3A_682 = tpu.vector_load %arg4[%get3A_680, %get3A_681] {strides = array<i32>} : memref<200x128xf32, #tpu.memory_space<vmem>>, vector<1x16xf32>,
      %get3A_683 = vector.shape_cast %get3A_682 : vector<1x16xf32> to vector<16xf32>
      %add3A_684 = arith.addf %scan3A_649, %get3A_683 : vector<16xf32>
      %get3A_685 = arith.index_cast %scan3A_642 : i32 to index
      %get3A_686 = arith.constant 112 : index
      %get3A_687 = tpu.vector_load %arg4[%get3A_685, %get3A_686] {strides = array<i32>} : memref<200x128xf32, #tpu.memory_space<vmem>>, vector<1x16xf32>,
      %get3A_688 = vector.shape_cast %get3A_687 : vector<1x16xf32> to vector<16xf32>
      %add3A_689 = arith.addf %scan3A_650, %get3A_688 : vector<16xf32>
      scf.yield %add3A_654, %add3A_659, %add3A_664, %add3A_669, %add3A_674, %add3A_679, %add3A_684, %add3A_689 : vector<16xf32>, vector<16xf32>, vector<16xf32>, vector<16xf32>, vector<16xf32>, vector<16xf32>, vector<16xf32>, vector<16xf32>
    }
    %scan3A_164 = arith.constant 200 : i32
    %add3A_165 = arith.constant 2000 : i32
    %add3A_166 = arith.addi %add3A_4, %add3A_165 : i32
    %dma_start3A_167 = arith.constant 0 : i32
    %dma_start3A_168 = tpu.memref_slice %arg2[%add3A_166, %dma_start3A_167] : memref<320000x128xf32, #tpu.memory_space<hbm>> -> memref<200x128xf32, #tpu.memory_space<hbm>>
    %dma_start3A_169 = arith.constant 0 : i32
    %dma_start3A_170 = tpu.memref_slice %arg2[%add3A_166, %dma_start3A_169] : memref<320000x128xf32, #tpu.memory_space<hbm>> -> memref<200x128xf32, #tpu.memory_space<hbm>>
    tpu.enqueue_dma source(%dma_start3A_170 : memref<200x128xf32, #tpu.memory_space<hbm>>) target(%arg4 : memref<200x128xf32, #tpu.memory_space<vmem>>) target_semaphore(%arg7 : memref<!tpu.dma_semaphore, #tpu.memory_space<semaphore_mem>>)
    %dma_wait3A_171 = arith.constant 0 : i32
    %dma_wait3A_172 = tpu.memref_slice %arg2[%add3A_150, %dma_wait3A_171] : memref<320000x128xf32, #tpu.memory_space<hbm>> -> memref<200x128xf32, #tpu.memory_space<hbm>>
    %dma_wait3A_173 = arith.constant 0 : i32
    %dma_wait3A_174 = tpu.memref_slice %arg2[%add3A_150, %dma_wait3A_173] : memref<320000x128xf32, #tpu.memory_space<hbm>> -> memref<200x128xf32, #tpu.memory_space<hbm>>
    tpu.wait_dma2 semaphore(%arg8 : memref<!tpu.dma_semaphore, #tpu.memory_space<semaphore_mem>>) src(%dma_wait3A_174 : memref<200x128xf32, #tpu.memory_space<hbm>>) dst(%arg5 : memref<200x128xf32, #tpu.memory_space<vmem>>)
    %scan3A_175 = arith.constant 0 : i32
    %scan3A_176 = arith.constant 200 : i32
    %scan3A_177 = arith.addi %scan3A_175, %scan3A_176 : i32
    %scan3A_178 = arith.constant 1 : i32
    %scan3A_179:8 = scf.for %scan3A_642 = %scan3A_175 to %scan3A_177 step %scan3A_178 iter_args(%scan3A_643 = %scan3A_163#0, %scan3A_644 = %scan3A_163#1, %scan3A_645 = %scan3A_163#2, %scan3A_646 = %scan3A_163#3, %scan3A_647 = %scan3A_163#4, %scan3A_648 = %scan3A_163#5, %scan3A_649 = %scan3A_163#6, %scan3A_650 = %scan3A_163#7) -> (vector<16xf32>, vector<16xf32>, vector<16xf32>, vector<16xf32>, vector<16xf32>, vector<16xf32>, vector<16xf32>, vector<16xf32>)  : i32 {
      %get3A = arith.index_cast %scan3A_642 : i32 to index
      %get3A_651 = arith.constant 0 : index
      %get3A_652 = tpu.vector_load %arg5[%get3A, %get3A_651] {strides = array<i32>} : memref<200x128xf32, #tpu.memory_space<vmem>>, vector<1x16xf32>,
      %get3A_653 = vector.shape_cast %get3A_652 : vector<1x16xf32> to vector<16xf32>
      %add3A_654 = arith.addf %scan3A_643, %get3A_653 : vector<16xf32>
      %get3A_655 = arith.index_cast %scan3A_642 : i32 to index
      %get3A_656 = arith.constant 16 : index
      %get3A_657 = tpu.vector_load %arg5[%get3A_655, %get3A_656] {strides = array<i32>} : memref<200x128xf32, #tpu.memory_space<vmem>>, vector<1x16xf32>,
      %get3A_658 = vector.shape_cast %get3A_657 : vector<1x16xf32> to vector<16xf32>
      %add3A_659 = arith.addf %scan3A_644, %get3A_658 : vector<16xf32>
      %get3A_660 = arith.index_cast %scan3A_642 : i32 to index
      %get3A_661 = arith.constant 32 : index
      %get3A_662 = tpu.vector_load %arg5[%get3A_660, %get3A_661] {strides = array<i32>} : memref<200x128xf32, #tpu.memory_space<vmem>>, vector<1x16xf32>,
      %get3A_663 = vector.shape_cast %get3A_662 : vector<1x16xf32> to vector<16xf32>
      %add3A_664 = arith.addf %scan3A_645, %get3A_663 : vector<16xf32>
      %get3A_665 = arith.index_cast %scan3A_642 : i32 to index
      %get3A_666 = arith.constant 48 : index
      %get3A_667 = tpu.vector_load %arg5[%get3A_665, %get3A_666] {strides = array<i32>} : memref<200x128xf32, #tpu.memory_space<vmem>>, vector<1x16xf32>,
      %get3A_668 = vector.shape_cast %get3A_667 : vector<1x16xf32> to vector<16xf32>
      %add3A_669 = arith.addf %scan3A_646, %get3A_668 : vector<16xf32>
      %get3A_670 = arith.index_cast %scan3A_642 : i32 to index
      %get3A_671 = arith.constant 64 : index
      %get3A_672 = tpu.vector_load %arg5[%get3A_670, %get3A_671] {strides = array<i32>} : memref<200x128xf32, #tpu.memory_space<vmem>>, vector<1x16xf32>,
      %get3A_673 = vector.shape_cast %get3A_672 : vector<1x16xf32> to vector<16xf32>
      %add3A_674 = arith.addf %scan3A_647, %get3A_673 : vector<16xf32>
      %get3A_675 = arith.index_cast %scan3A_642 : i32 to index
      %get3A_676 = arith.constant 80 : index
      %get3A_677 = tpu.vector_load %arg5[%get3A_675, %get3A_676] {strides = array<i32>} : memref<200x128xf32, #tpu.memory_space<vmem>>, vector<1x16xf32>,
      %get3A_678 = vector.shape_cast %get3A_677 : vector<1x16xf32> to vector<16xf32>
      %add3A_679 = arith.addf %scan3A_648, %get3A_678 : vector<16xf32>
      %get3A_680 = arith.index_cast %scan3A_642 : i32 to index
      %get3A_681 = arith.constant 96 : index
      %get3A_682 = tpu.vector_load %arg5[%get3A_680, %get3A_681] {strides = array<i32>} : memref<200x128xf32, #tpu.memory_space<vmem>>, vector<1x16xf32>,
      %get3A_683 = vector.shape_cast %get3A_682 : vector<1x16xf32> to vector<16xf32>
      %add3A_684 = arith.addf %scan3A_649, %get3A_683 : vector<16xf32>
      %get3A_685 = arith.index_cast %scan3A_642 : i32 to index
      %get3A_686 = arith.constant 112 : index
      %get3A_687 = tpu.vector_load %arg5[%get3A_685, %get3A_686] {strides = array<i32>} : memref<200x128xf32, #tpu.memory_space<vmem>>, vector<1x16xf32>,
      %get3A_688 = vector.shape_cast %get3A_687 : vector<1x16xf32> to vector<16xf32>
      %add3A_689 = arith.addf %scan3A_650, %get3A_688 : vector<16xf32>
      scf.yield %add3A_654, %add3A_659, %add3A_664, %add3A_669, %add3A_674, %add3A_679, %add3A_684, %add3A_689 : vector<16xf32>, vector<16xf32>, vector<16xf32>, vector<16xf32>, vector<16xf32>, vector<16xf32>, vector<16xf32>, vector<16xf32>
    }
    %scan3A_180 = arith.constant 200 : i32
    %add3A_181 = arith.constant 2200 : i32
    %add3A_182 = arith.addi %add3A_4, %add3A_181 : i32
    %dma_start3A_183 = arith.constant 0 : i32
    %dma_start3A_184 = tpu.memref_slice %arg2[%add3A_182, %dma_start3A_183] : memref<320000x128xf32, #tpu.memory_space<hbm>> -> memref<200x128xf32, #tpu.memory_space<hbm>>
    %dma_start3A_185 = arith.constant 0 : i32
    %dma_start3A_186 = tpu.memref_slice %arg2[%add3A_182, %dma_start3A_185] : memref<320000x128xf32, #tpu.memory_space<hbm>> -> memref<200x128xf32, #tpu.memory_space<hbm>>
    tpu.enqueue_dma source(%dma_start3A_186 : memref<200x128xf32, #tpu.memory_space<hbm>>) target(%arg5 : memref<200x128xf32, #tpu.memory_space<vmem>>) target_semaphore(%arg8 : memref<!tpu.dma_semaphore, #tpu.memory_space<semaphore_mem>>)
    %dma_wait3A_187 = arith.constant 0 : i32
    %dma_wait3A_188 = tpu.memref_slice %arg2[%add3A_166, %dma_wait3A_187] : memref<320000x128xf32, #tpu.memory_space<hbm>> -> memref<200x128xf32, #tpu.memory_space<hbm>>
    %dma_wait3A_189 = arith.constant 0 : i32
    %dma_wait3A_190 = tpu.memref_slice %arg2[%add3A_166, %dma_wait3A_189] : memref<320000x128xf32, #tpu.memory_space<hbm>> -> memref<200x128xf32, #tpu.memory_space<hbm>>
    tpu.wait_dma2 semaphore(%arg7 : memref<!tpu.dma_semaphore, #tpu.memory_space<semaphore_mem>>) src(%dma_wait3A_190 : memref<200x128xf32, #tpu.memory_space<hbm>>) dst(%arg4 : memref<200x128xf32, #tpu.memory_space<vmem>>)
    %scan3A_191 = arith.constant 0 : i32
    %scan3A_192 = arith.constant 200 : i32
    %scan3A_193 = arith.addi %scan3A_191, %scan3A_192 : i32
    %scan3A_194 = arith.constant 1 : i32
    %scan3A_195:8 = scf.for %scan3A_642 = %scan3A_191 to %scan3A_193 step %scan3A_194 iter_args(%scan3A_643 = %scan3A_179#0, %scan3A_644 = %scan3A_179#1, %scan3A_645 = %scan3A_179#2, %scan3A_646 = %scan3A_179#3, %scan3A_647 = %scan3A_179#4, %scan3A_648 = %scan3A_179#5, %scan3A_649 = %scan3A_179#6, %scan3A_650 = %scan3A_179#7) -> (vector<16xf32>, vector<16xf32>, vector<16xf32>, vector<16xf32>, vector<16xf32>, vector<16xf32>, vector<16xf32>, vector<16xf32>)  : i32 {
      %get3A = arith.index_cast %scan3A_642 : i32 to index
      %get3A_651 = arith.constant 0 : index
      %get3A_652 = tpu.vector_load %arg4[%get3A, %get3A_651] {strides = array<i32>} : memref<200x128xf32, #tpu.memory_space<vmem>>, vector<1x16xf32>,
      %get3A_653 = vector.shape_cast %get3A_652 : vector<1x16xf32> to vector<16xf32>
      %add3A_654 = arith.addf %scan3A_643, %get3A_653 : vector<16xf32>
      %get3A_655 = arith.index_cast %scan3A_642 : i32 to index
      %get3A_656 = arith.constant 16 : index
      %get3A_657 = tpu.vector_load %arg4[%get3A_655, %get3A_656] {strides = array<i32>} : memref<200x128xf32, #tpu.memory_space<vmem>>, vector<1x16xf32>,
      %get3A_658 = vector.shape_cast %get3A_657 : vector<1x16xf32> to vector<16xf32>
      %add3A_659 = arith.addf %scan3A_644, %get3A_658 : vector<16xf32>
      %get3A_660 = arith.index_cast %scan3A_642 : i32 to index
      %get3A_661 = arith.constant 32 : index
      %get3A_662 = tpu.vector_load %arg4[%get3A_660, %get3A_661] {strides = array<i32>} : memref<200x128xf32, #tpu.memory_space<vmem>>, vector<1x16xf32>,
      %get3A_663 = vector.shape_cast %get3A_662 : vector<1x16xf32> to vector<16xf32>
      %add3A_664 = arith.addf %scan3A_645, %get3A_663 : vector<16xf32>
      %get3A_665 = arith.index_cast %scan3A_642 : i32 to index
      %get3A_666 = arith.constant 48 : index
      %get3A_667 = tpu.vector_load %arg4[%get3A_665, %get3A_666] {strides = array<i32>} : memref<200x128xf32, #tpu.memory_space<vmem>>, vector<1x16xf32>,
      %get3A_668 = vector.shape_cast %get3A_667 : vector<1x16xf32> to vector<16xf32>
      %add3A_669 = arith.addf %scan3A_646, %get3A_668 : vector<16xf32>
      %get3A_670 = arith.index_cast %scan3A_642 : i32 to index
      %get3A_671 = arith.constant 64 : index
      %get3A_672 = tpu.vector_load %arg4[%get3A_670, %get3A_671] {strides = array<i32>} : memref<200x128xf32, #tpu.memory_space<vmem>>, vector<1x16xf32>,
      %get3A_673 = vector.shape_cast %get3A_672 : vector<1x16xf32> to vector<16xf32>
      %add3A_674 = arith.addf %scan3A_647, %get3A_673 : vector<16xf32>
      %get3A_675 = arith.index_cast %scan3A_642 : i32 to index
      %get3A_676 = arith.constant 80 : index
      %get3A_677 = tpu.vector_load %arg4[%get3A_675, %get3A_676] {strides = array<i32>} : memref<200x128xf32, #tpu.memory_space<vmem>>, vector<1x16xf32>,
      %get3A_678 = vector.shape_cast %get3A_677 : vector<1x16xf32> to vector<16xf32>
      %add3A_679 = arith.addf %scan3A_648, %get3A_678 : vector<16xf32>
      %get3A_680 = arith.index_cast %scan3A_642 : i32 to index
      %get3A_681 = arith.constant 96 : index
      %get3A_682 = tpu.vector_load %arg4[%get3A_680, %get3A_681] {strides = array<i32>} : memref<200x128xf32, #tpu.memory_space<vmem>>, vector<1x16xf32>,
      %get3A_683 = vector.shape_cast %get3A_682 : vector<1x16xf32> to vector<16xf32>
      %add3A_684 = arith.addf %scan3A_649, %get3A_683 : vector<16xf32>
      %get3A_685 = arith.index_cast %scan3A_642 : i32 to index
      %get3A_686 = arith.constant 112 : index
      %get3A_687 = tpu.vector_load %arg4[%get3A_685, %get3A_686] {strides = array<i32>} : memref<200x128xf32, #tpu.memory_space<vmem>>, vector<1x16xf32>,
      %get3A_688 = vector.shape_cast %get3A_687 : vector<1x16xf32> to vector<16xf32>
      %add3A_689 = arith.addf %scan3A_650, %get3A_688 : vector<16xf32>
      scf.yield %add3A_654, %add3A_659, %add3A_664, %add3A_669, %add3A_674, %add3A_679, %add3A_684, %add3A_689 : vector<16xf32>, vector<16xf32>, vector<16xf32>, vector<16xf32>, vector<16xf32>, vector<16xf32>, vector<16xf32>, vector<16xf32>
    }
    %scan3A_196 = arith.constant 200 : i32
    %add3A_197 = arith.constant 2400 : i32
    %add3A_198 = arith.addi %add3A_4, %add3A_197 : i32
    %dma_start3A_199 = arith.constant 0 : i32
    %dma_start3A_200 = tpu.memref_slice %arg2[%add3A_198, %dma_start3A_199] : memref<320000x128xf32, #tpu.memory_space<hbm>> -> memref<200x128xf32, #tpu.memory_space<hbm>>
    %dma_start3A_201 = arith.constant 0 : i32
    %dma_start3A_202 = tpu.memref_slice %arg2[%add3A_198, %dma_start3A_201] : memref<320000x128xf32, #tpu.memory_space<hbm>> -> memref<200x128xf32, #tpu.memory_space<hbm>>
    tpu.enqueue_dma source(%dma_start3A_202 : memref<200x128xf32, #tpu.memory_space<hbm>>) target(%arg4 : memref<200x128xf32, #tpu.memory_space<vmem>>) target_semaphore(%arg7 : memref<!tpu.dma_semaphore, #tpu.memory_space<semaphore_mem>>)
    %dma_wait3A_203 = arith.constant 0 : i32
    %dma_wait3A_204 = tpu.memref_slice %arg2[%add3A_182, %dma_wait3A_203] : memref<320000x128xf32, #tpu.memory_space<hbm>> -> memref<200x128xf32, #tpu.memory_space<hbm>>
    %dma_wait3A_205 = arith.constant 0 : i32
    %dma_wait3A_206 = tpu.memref_slice %arg2[%add3A_182, %dma_wait3A_205] : memref<320000x128xf32, #tpu.memory_space<hbm>> -> memref<200x128xf32, #tpu.memory_space<hbm>>
    tpu.wait_dma2 semaphore(%arg8 : memref<!tpu.dma_semaphore, #tpu.memory_space<semaphore_mem>>) src(%dma_wait3A_206 : memref<200x128xf32, #tpu.memory_space<hbm>>) dst(%arg5 : memref<200x128xf32, #tpu.memory_space<vmem>>)
    %scan3A_207 = arith.constant 0 : i32
    %scan3A_208 = arith.constant 200 : i32
    %scan3A_209 = arith.addi %scan3A_207, %scan3A_208 : i32
    %scan3A_210 = arith.constant 1 : i32
    %scan3A_211:8 = scf.for %scan3A_642 = %scan3A_207 to %scan3A_209 step %scan3A_210 iter_args(%scan3A_643 = %scan3A_195#0, %scan3A_644 = %scan3A_195#1, %scan3A_645 = %scan3A_195#2, %scan3A_646 = %scan3A_195#3, %scan3A_647 = %scan3A_195#4, %scan3A_648 = %scan3A_195#5, %scan3A_649 = %scan3A_195#6, %scan3A_650 = %scan3A_195#7) -> (vector<16xf32>, vector<16xf32>, vector<16xf32>, vector<16xf32>, vector<16xf32>, vector<16xf32>, vector<16xf32>, vector<16xf32>)  : i32 {
      %get3A = arith.index_cast %scan3A_642 : i32 to index
      %get3A_651 = arith.constant 0 : index
      %get3A_652 = tpu.vector_load %arg5[%get3A, %get3A_651] {strides = array<i32>} : memref<200x128xf32, #tpu.memory_space<vmem>>, vector<1x16xf32>,
      %get3A_653 = vector.shape_cast %get3A_652 : vector<1x16xf32> to vector<16xf32>
      %add3A_654 = arith.addf %scan3A_643, %get3A_653 : vector<16xf32>
      %get3A_655 = arith.index_cast %scan3A_642 : i32 to index
      %get3A_656 = arith.constant 16 : index
      %get3A_657 = tpu.vector_load %arg5[%get3A_655, %get3A_656] {strides = array<i32>} : memref<200x128xf32, #tpu.memory_space<vmem>>, vector<1x16xf32>,
      %get3A_658 = vector.shape_cast %get3A_657 : vector<1x16xf32> to vector<16xf32>
      %add3A_659 = arith.addf %scan3A_644, %get3A_658 : vector<16xf32>
      %get3A_660 = arith.index_cast %scan3A_642 : i32 to index
      %get3A_661 = arith.constant 32 : index
      %get3A_662 = tpu.vector_load %arg5[%get3A_660, %get3A_661] {strides = array<i32>} : memref<200x128xf32, #tpu.memory_space<vmem>>, vector<1x16xf32>,
      %get3A_663 = vector.shape_cast %get3A_662 : vector<1x16xf32> to vector<16xf32>
      %add3A_664 = arith.addf %scan3A_645, %get3A_663 : vector<16xf32>
      %get3A_665 = arith.index_cast %scan3A_642 : i32 to index
      %get3A_666 = arith.constant 48 : index
      %get3A_667 = tpu.vector_load %arg5[%get3A_665, %get3A_666] {strides = array<i32>} : memref<200x128xf32, #tpu.memory_space<vmem>>, vector<1x16xf32>,
      %get3A_668 = vector.shape_cast %get3A_667 : vector<1x16xf32> to vector<16xf32>
      %add3A_669 = arith.addf %scan3A_646, %get3A_668 : vector<16xf32>
      %get3A_670 = arith.index_cast %scan3A_642 : i32 to index
      %get3A_671 = arith.constant 64 : index
      %get3A_672 = tpu.vector_load %arg5[%get3A_670, %get3A_671] {strides = array<i32>} : memref<200x128xf32, #tpu.memory_space<vmem>>, vector<1x16xf32>,
      %get3A_673 = vector.shape_cast %get3A_672 : vector<1x16xf32> to vector<16xf32>
      %add3A_674 = arith.addf %scan3A_647, %get3A_673 : vector<16xf32>
      %get3A_675 = arith.index_cast %scan3A_642 : i32 to index
      %get3A_676 = arith.constant 80 : index
      %get3A_677 = tpu.vector_load %arg5[%get3A_675, %get3A_676] {strides = array<i32>} : memref<200x128xf32, #tpu.memory_space<vmem>>, vector<1x16xf32>,
      %get3A_678 = vector.shape_cast %get3A_677 : vector<1x16xf32> to vector<16xf32>
      %add3A_679 = arith.addf %scan3A_648, %get3A_678 : vector<16xf32>
      %get3A_680 = arith.index_cast %scan3A_642 : i32 to index
      %get3A_681 = arith.constant 96 : index
      %get3A_682 = tpu.vector_load %arg5[%get3A_680, %get3A_681] {strides = array<i32>} : memref<200x128xf32, #tpu.memory_space<vmem>>, vector<1x16xf32>,
      %get3A_683 = vector.shape_cast %get3A_682 : vector<1x16xf32> to vector<16xf32>
      %add3A_684 = arith.addf %scan3A_649, %get3A_683 : vector<16xf32>
      %get3A_685 = arith.index_cast %scan3A_642 : i32 to index
      %get3A_686 = arith.constant 112 : index
      %get3A_687 = tpu.vector_load %arg5[%get3A_685, %get3A_686] {strides = array<i32>} : memref<200x128xf32, #tpu.memory_space<vmem>>, vector<1x16xf32>,
      %get3A_688 = vector.shape_cast %get3A_687 : vector<1x16xf32> to vector<16xf32>
      %add3A_689 = arith.addf %scan3A_650, %get3A_688 : vector<16xf32>
      scf.yield %add3A_654, %add3A_659, %add3A_664, %add3A_669, %add3A_674, %add3A_679, %add3A_684, %add3A_689 : vector<16xf32>, vector<16xf32>, vector<16xf32>, vector<16xf32>, vector<16xf32>, vector<16xf32>, vector<16xf32>, vector<16xf32>
    }
    %scan3A_212 = arith.constant 200 : i32
    %add3A_213 = arith.constant 2600 : i32
    %add3A_214 = arith.addi %add3A_4, %add3A_213 : i32
    %dma_start3A_215 = arith.constant 0 : i32
    %dma_start3A_216 = tpu.memref_slice %arg2[%add3A_214, %dma_start3A_215] : memref<320000x128xf32, #tpu.memory_space<hbm>> -> memref<200x128xf32, #tpu.memory_space<hbm>>
    %dma_start3A_217 = arith.constant 0 : i32
    %dma_start3A_218 = tpu.memref_slice %arg2[%add3A_214, %dma_start3A_217] : memref<320000x128xf32, #tpu.memory_space<hbm>> -> memref<200x128xf32, #tpu.memory_space<hbm>>
    tpu.enqueue_dma source(%dma_start3A_218 : memref<200x128xf32, #tpu.memory_space<hbm>>) target(%arg5 : memref<200x128xf32, #tpu.memory_space<vmem>>) target_semaphore(%arg8 : memref<!tpu.dma_semaphore, #tpu.memory_space<semaphore_mem>>)
    %dma_wait3A_219 = arith.constant 0 : i32
    %dma_wait3A_220 = tpu.memref_slice %arg2[%add3A_198, %dma_wait3A_219] : memref<320000x128xf32, #tpu.memory_space<hbm>> -> memref<200x128xf32, #tpu.memory_space<hbm>>
    %dma_wait3A_221 = arith.constant 0 : i32
    %dma_wait3A_222 = tpu.memref_slice %arg2[%add3A_198, %dma_wait3A_221] : memref<320000x128xf32, #tpu.memory_space<hbm>> -> memref<200x128xf32, #tpu.memory_space<hbm>>
    tpu.wait_dma2 semaphore(%arg7 : memref<!tpu.dma_semaphore, #tpu.memory_space<semaphore_mem>>) src(%dma_wait3A_222 : memref<200x128xf32, #tpu.memory_space<hbm>>) dst(%arg4 : memref<200x128xf32, #tpu.memory_space<vmem>>)
    %scan3A_223 = arith.constant 0 : i32
    %scan3A_224 = arith.constant 200 : i32
    %scan3A_225 = arith.addi %scan3A_223, %scan3A_224 : i32
    %scan3A_226 = arith.constant 1 : i32
    %scan3A_227:8 = scf.for %scan3A_642 = %scan3A_223 to %scan3A_225 step %scan3A_226 iter_args(%scan3A_643 = %scan3A_211#0, %scan3A_644 = %scan3A_211#1, %scan3A_645 = %scan3A_211#2, %scan3A_646 = %scan3A_211#3, %scan3A_647 = %scan3A_211#4, %scan3A_648 = %scan3A_211#5, %scan3A_649 = %scan3A_211#6, %scan3A_650 = %scan3A_211#7) -> (vector<16xf32>, vector<16xf32>, vector<16xf32>, vector<16xf32>, vector<16xf32>, vector<16xf32>, vector<16xf32>, vector<16xf32>)  : i32 {
      %get3A = arith.index_cast %scan3A_642 : i32 to index
      %get3A_651 = arith.constant 0 : index
      %get3A_652 = tpu.vector_load %arg4[%get3A, %get3A_651] {strides = array<i32>} : memref<200x128xf32, #tpu.memory_space<vmem>>, vector<1x16xf32>,
      %get3A_653 = vector.shape_cast %get3A_652 : vector<1x16xf32> to vector<16xf32>
      %add3A_654 = arith.addf %scan3A_643, %get3A_653 : vector<16xf32>
      %get3A_655 = arith.index_cast %scan3A_642 : i32 to index
      %get3A_656 = arith.constant 16 : index
      %get3A_657 = tpu.vector_load %arg4[%get3A_655, %get3A_656] {strides = array<i32>} : memref<200x128xf32, #tpu.memory_space<vmem>>, vector<1x16xf32>,
      %get3A_658 = vector.shape_cast %get3A_657 : vector<1x16xf32> to vector<16xf32>
      %add3A_659 = arith.addf %scan3A_644, %get3A_658 : vector<16xf32>
      %get3A_660 = arith.index_cast %scan3A_642 : i32 to index
      %get3A_661 = arith.constant 32 : index
      %get3A_662 = tpu.vector_load %arg4[%get3A_660, %get3A_661] {strides = array<i32>} : memref<200x128xf32, #tpu.memory_space<vmem>>, vector<1x16xf32>,
      %get3A_663 = vector.shape_cast %get3A_662 : vector<1x16xf32> to vector<16xf32>
      %add3A_664 = arith.addf %scan3A_645, %get3A_663 : vector<16xf32>
      %get3A_665 = arith.index_cast %scan3A_642 : i32 to index
      %get3A_666 = arith.constant 48 : index
      %get3A_667 = tpu.vector_load %arg4[%get3A_665, %get3A_666] {strides = array<i32>} : memref<200x128xf32, #tpu.memory_space<vmem>>, vector<1x16xf32>,
      %get3A_668 = vector.shape_cast %get3A_667 : vector<1x16xf32> to vector<16xf32>
      %add3A_669 = arith.addf %scan3A_646, %get3A_668 : vector<16xf32>
      %get3A_670 = arith.index_cast %scan3A_642 : i32 to index
      %get3A_671 = arith.constant 64 : index
      %get3A_672 = tpu.vector_load %arg4[%get3A_670, %get3A_671] {strides = array<i32>} : memref<200x128xf32, #tpu.memory_space<vmem>>, vector<1x16xf32>,
      %get3A_673 = vector.shape_cast %get3A_672 : vector<1x16xf32> to vector<16xf32>
      %add3A_674 = arith.addf %scan3A_647, %get3A_673 : vector<16xf32>
      %get3A_675 = arith.index_cast %scan3A_642 : i32 to index
      %get3A_676 = arith.constant 80 : index
      %get3A_677 = tpu.vector_load %arg4[%get3A_675, %get3A_676] {strides = array<i32>} : memref<200x128xf32, #tpu.memory_space<vmem>>, vector<1x16xf32>,
      %get3A_678 = vector.shape_cast %get3A_677 : vector<1x16xf32> to vector<16xf32>
      %add3A_679 = arith.addf %scan3A_648, %get3A_678 : vector<16xf32>
      %get3A_680 = arith.index_cast %scan3A_642 : i32 to index
      %get3A_681 = arith.constant 96 : index
      %get3A_682 = tpu.vector_load %arg4[%get3A_680, %get3A_681] {strides = array<i32>} : memref<200x128xf32, #tpu.memory_space<vmem>>, vector<1x16xf32>,
      %get3A_683 = vector.shape_cast %get3A_682 : vector<1x16xf32> to vector<16xf32>
      %add3A_684 = arith.addf %scan3A_649, %get3A_683 : vector<16xf32>
      %get3A_685 = arith.index_cast %scan3A_642 : i32 to index
      %get3A_686 = arith.constant 112 : index
      %get3A_687 = tpu.vector_load %arg4[%get3A_685, %get3A_686] {strides = array<i32>} : memref<200x128xf32, #tpu.memory_space<vmem>>, vector<1x16xf32>,
      %get3A_688 = vector.shape_cast %get3A_687 : vector<1x16xf32> to vector<16xf32>
      %add3A_689 = arith.addf %scan3A_650, %get3A_688 : vector<16xf32>
      scf.yield %add3A_654, %add3A_659, %add3A_664, %add3A_669, %add3A_674, %add3A_679, %add3A_684, %add3A_689 : vector<16xf32>, vector<16xf32>, vector<16xf32>, vector<16xf32>, vector<16xf32>, vector<16xf32>, vector<16xf32>, vector<16xf32>
    }
    %scan3A_228 = arith.constant 200 : i32
    %add3A_229 = arith.constant 2800 : i32
    %add3A_230 = arith.addi %add3A_4, %add3A_229 : i32
    %dma_start3A_231 = arith.constant 0 : i32
    %dma_start3A_232 = tpu.memref_slice %arg2[%add3A_230, %dma_start3A_231] : memref<320000x128xf32, #tpu.memory_space<hbm>> -> memref<200x128xf32, #tpu.memory_space<hbm>>
    %dma_start3A_233 = arith.constant 0 : i32
    %dma_start3A_234 = tpu.memref_slice %arg2[%add3A_230, %dma_start3A_233] : memref<320000x128xf32, #tpu.memory_space<hbm>> -> memref<200x128xf32, #tpu.memory_space<hbm>>
    tpu.enqueue_dma source(%dma_start3A_234 : memref<200x128xf32, #tpu.memory_space<hbm>>) target(%arg4 : memref<200x128xf32, #tpu.memory_space<vmem>>) target_semaphore(%arg7 : memref<!tpu.dma_semaphore, #tpu.memory_space<semaphore_mem>>)
    %dma_wait3A_235 = arith.constant 0 : i32
    %dma_wait3A_236 = tpu.memref_slice %arg2[%add3A_214, %dma_wait3A_235] : memref<320000x128xf32, #tpu.memory_space<hbm>> -> memref<200x128xf32, #tpu.memory_space<hbm>>
    %dma_wait3A_237 = arith.constant 0 : i32
    %dma_wait3A_238 = tpu.memref_slice %arg2[%add3A_214, %dma_wait3A_237] : memref<320000x128xf32, #tpu.memory_space<hbm>> -> memref<200x128xf32, #tpu.memory_space<hbm>>
    tpu.wait_dma2 semaphore(%arg8 : memref<!tpu.dma_semaphore, #tpu.memory_space<semaphore_mem>>) src(%dma_wait3A_238 : memref<200x128xf32, #tpu.memory_space<hbm>>) dst(%arg5 : memref<200x128xf32, #tpu.memory_space<vmem>>)
    %scan3A_239 = arith.constant 0 : i32
    %scan3A_240 = arith.constant 200 : i32
    %scan3A_241 = arith.addi %scan3A_239, %scan3A_240 : i32
    %scan3A_242 = arith.constant 1 : i32
    %scan3A_243:8 = scf.for %scan3A_642 = %scan3A_239 to %scan3A_241 step %scan3A_242 iter_args(%scan3A_643 = %scan3A_227#0, %scan3A_644 = %scan3A_227#1, %scan3A_645 = %scan3A_227#2, %scan3A_646 = %scan3A_227#3, %scan3A_647 = %scan3A_227#4, %scan3A_648 = %scan3A_227#5, %scan3A_649 = %scan3A_227#6, %scan3A_650 = %scan3A_227#7) -> (vector<16xf32>, vector<16xf32>, vector<16xf32>, vector<16xf32>, vector<16xf32>, vector<16xf32>, vector<16xf32>, vector<16xf32>)  : i32 {
      %get3A = arith.index_cast %scan3A_642 : i32 to index
      %get3A_651 = arith.constant 0 : index
      %get3A_652 = tpu.vector_load %arg5[%get3A, %get3A_651] {strides = array<i32>} : memref<200x128xf32, #tpu.memory_space<vmem>>, vector<1x16xf32>,
      %get3A_653 = vector.shape_cast %get3A_652 : vector<1x16xf32> to vector<16xf32>
      %add3A_654 = arith.addf %scan3A_643, %get3A_653 : vector<16xf32>
      %get3A_655 = arith.index_cast %scan3A_642 : i32 to index
      %get3A_656 = arith.constant 16 : index
      %get3A_657 = tpu.vector_load %arg5[%get3A_655, %get3A_656] {strides = array<i32>} : memref<200x128xf32, #tpu.memory_space<vmem>>, vector<1x16xf32>,
      %get3A_658 = vector.shape_cast %get3A_657 : vector<1x16xf32> to vector<16xf32>
      %add3A_659 = arith.addf %scan3A_644, %get3A_658 : vector<16xf32>
      %get3A_660 = arith.index_cast %scan3A_642 : i32 to index
      %get3A_661 = arith.constant 32 : index
      %get3A_662 = tpu.vector_load %arg5[%get3A_660, %get3A_661] {strides = array<i32>} : memref<200x128xf32, #tpu.memory_space<vmem>>, vector<1x16xf32>,
      %get3A_663 = vector.shape_cast %get3A_662 : vector<1x16xf32> to vector<16xf32>
      %add3A_664 = arith.addf %scan3A_645, %get3A_663 : vector<16xf32>
      %get3A_665 = arith.index_cast %scan3A_642 : i32 to index
      %get3A_666 = arith.constant 48 : index
      %get3A_667 = tpu.vector_load %arg5[%get3A_665, %get3A_666] {strides = array<i32>} : memref<200x128xf32, #tpu.memory_space<vmem>>, vector<1x16xf32>,
      %get3A_668 = vector.shape_cast %get3A_667 : vector<1x16xf32> to vector<16xf32>
      %add3A_669 = arith.addf %scan3A_646, %get3A_668 : vector<16xf32>
      %get3A_670 = arith.index_cast %scan3A_642 : i32 to index
      %get3A_671 = arith.constant 64 : index
      %get3A_672 = tpu.vector_load %arg5[%get3A_670, %get3A_671] {strides = array<i32>} : memref<200x128xf32, #tpu.memory_space<vmem>>, vector<1x16xf32>,
      %get3A_673 = vector.shape_cast %get3A_672 : vector<1x16xf32> to vector<16xf32>
      %add3A_674 = arith.addf %scan3A_647, %get3A_673 : vector<16xf32>
      %get3A_675 = arith.index_cast %scan3A_642 : i32 to index
      %get3A_676 = arith.constant 80 : index
      %get3A_677 = tpu.vector_load %arg5[%get3A_675, %get3A_676] {strides = array<i32>} : memref<200x128xf32, #tpu.memory_space<vmem>>, vector<1x16xf32>,
      %get3A_678 = vector.shape_cast %get3A_677 : vector<1x16xf32> to vector<16xf32>
      %add3A_679 = arith.addf %scan3A_648, %get3A_678 : vector<16xf32>
      %get3A_680 = arith.index_cast %scan3A_642 : i32 to index
      %get3A_681 = arith.constant 96 : index
      %get3A_682 = tpu.vector_load %arg5[%get3A_680, %get3A_681] {strides = array<i32>} : memref<200x128xf32, #tpu.memory_space<vmem>>, vector<1x16xf32>,
      %get3A_683 = vector.shape_cast %get3A_682 : vector<1x16xf32> to vector<16xf32>
      %add3A_684 = arith.addf %scan3A_649, %get3A_683 : vector<16xf32>
      %get3A_685 = arith.index_cast %scan3A_642 : i32 to index
      %get3A_686 = arith.constant 112 : index
      %get3A_687 = tpu.vector_load %arg5[%get3A_685, %get3A_686] {strides = array<i32>} : memref<200x128xf32, #tpu.memory_space<vmem>>, vector<1x16xf32>,
      %get3A_688 = vector.shape_cast %get3A_687 : vector<1x16xf32> to vector<16xf32>
      %add3A_689 = arith.addf %scan3A_650, %get3A_688 : vector<16xf32>
      scf.yield %add3A_654, %add3A_659, %add3A_664, %add3A_669, %add3A_674, %add3A_679, %add3A_684, %add3A_689 : vector<16xf32>, vector<16xf32>, vector<16xf32>, vector<16xf32>, vector<16xf32>, vector<16xf32>, vector<16xf32>, vector<16xf32>
    }
    %scan3A_244 = arith.constant 200 : i32
    %dma_wait3A_245 = arith.constant 0 : i32
    %dma_wait3A_246 = tpu.memref_slice %arg2[%add3A_230, %dma_wait3A_245] : memref<320000x128xf32, #tpu.memory_space<hbm>> -> memref<200x128xf32, #tpu.memory_space<hbm>>
    %dma_wait3A_247 = arith.constant 0 : i32
    %dma_wait3A_248 = tpu.memref_slice %arg2[%add3A_230, %dma_wait3A_247] : memref<320000x128xf32, #tpu.memory_space<hbm>> -> memref<200x128xf32, #tpu.memory_space<hbm>>
    tpu.wait_dma2 semaphore(%arg7 : memref<!tpu.dma_semaphore, #tpu.memory_space<semaphore_mem>>) src(%dma_wait3A_248 : memref<200x128xf32, #tpu.memory_space<hbm>>) dst(%arg4 : memref<200x128xf32, #tpu.memory_space<vmem>>)
    %scan3A_249 = arith.constant 0 : i32
    %scan3A_250 = arith.constant 200 : i32
    %scan3A_251 = arith.addi %scan3A_249, %scan3A_250 : i32
    %scan3A_252 = arith.constant 1 : i32
    %scan3A_253:8 = scf.for %scan3A_642 = %scan3A_249 to %scan3A_251 step %scan3A_252 iter_args(%scan3A_643 = %scan3A_243#0, %scan3A_644 = %scan3A_243#1, %scan3A_645 = %scan3A_243#2, %scan3A_646 = %scan3A_243#3, %scan3A_647 = %scan3A_243#4, %scan3A_648 = %scan3A_243#5, %scan3A_649 = %scan3A_243#6, %scan3A_650 = %scan3A_243#7) -> (vector<16xf32>, vector<16xf32>, vector<16xf32>, vector<16xf32>, vector<16xf32>, vector<16xf32>, vector<16xf32>, vector<16xf32>)  : i32 {
      %get3A = arith.index_cast %scan3A_642 : i32 to index
      %get3A_651 = arith.constant 0 : index
      %get3A_652 = tpu.vector_load %arg4[%get3A, %get3A_651] {strides = array<i32>} : memref<200x128xf32, #tpu.memory_space<vmem>>, vector<1x16xf32>,
      %get3A_653 = vector.shape_cast %get3A_652 : vector<1x16xf32> to vector<16xf32>
      %add3A_654 = arith.addf %scan3A_643, %get3A_653 : vector<16xf32>
      %get3A_655 = arith.index_cast %scan3A_642 : i32 to index
      %get3A_656 = arith.constant 16 : index
      %get3A_657 = tpu.vector_load %arg4[%get3A_655, %get3A_656] {strides = array<i32>} : memref<200x128xf32, #tpu.memory_space<vmem>>, vector<1x16xf32>,
      %get3A_658 = vector.shape_cast %get3A_657 : vector<1x16xf32> to vector<16xf32>
      %add3A_659 = arith.addf %scan3A_644, %get3A_658 : vector<16xf32>
      %get3A_660 = arith.index_cast %scan3A_642 : i32 to index
      %get3A_661 = arith.constant 32 : index
      %get3A_662 = tpu.vector_load %arg4[%get3A_660, %get3A_661] {strides = array<i32>} : memref<200x128xf32, #tpu.memory_space<vmem>>, vector<1x16xf32>,
      %get3A_663 = vector.shape_cast %get3A_662 : vector<1x16xf32> to vector<16xf32>
      %add3A_664 = arith.addf %scan3A_645, %get3A_663 : vector<16xf32>
      %get3A_665 = arith.index_cast %scan3A_642 : i32 to index
      %get3A_666 = arith.constant 48 : index
      %get3A_667 = tpu.vector_load %arg4[%get3A_665, %get3A_666] {strides = array<i32>} : memref<200x128xf32, #tpu.memory_space<vmem>>, vector<1x16xf32>,
      %get3A_668 = vector.shape_cast %get3A_667 : vector<1x16xf32> to vector<16xf32>
      %add3A_669 = arith.addf %scan3A_646, %get3A_668 : vector<16xf32>
      %get3A_670 = arith.index_cast %scan3A_642 : i32 to index
      %get3A_671 = arith.constant 64 : index
      %get3A_672 = tpu.vector_load %arg4[%get3A_670, %get3A_671] {strides = array<i32>} : memref<200x128xf32, #tpu.memory_space<vmem>>, vector<1x16xf32>,
      %get3A_673 = vector.shape_cast %get3A_672 : vector<1x16xf32> to vector<16xf32>
      %add3A_674 = arith.addf %scan3A_647, %get3A_673 : vector<16xf32>
      %get3A_675 = arith.index_cast %scan3A_642 : i32 to index
      %get3A_676 = arith.constant 80 : index
      %get3A_677 = tpu.vector_load %arg4[%get3A_675, %get3A_676] {strides = array<i32>} : memref<200x128xf32, #tpu.memory_space<vmem>>, vector<1x16xf32>,
      %get3A_678 = vector.shape_cast %get3A_677 : vector<1x16xf32> to vector<16xf32>
      %add3A_679 = arith.addf %scan3A_648, %get3A_678 : vector<16xf32>
      %get3A_680 = arith.index_cast %scan3A_642 : i32 to index
      %get3A_681 = arith.constant 96 : index
      %get3A_682 = tpu.vector_load %arg4[%get3A_680, %get3A_681] {strides = array<i32>} : memref<200x128xf32, #tpu.memory_space<vmem>>, vector<1x16xf32>,
      %get3A_683 = vector.shape_cast %get3A_682 : vector<1x16xf32> to vector<16xf32>
      %add3A_684 = arith.addf %scan3A_649, %get3A_683 : vector<16xf32>
      %get3A_685 = arith.index_cast %scan3A_642 : i32 to index
      %get3A_686 = arith.constant 112 : index
      %get3A_687 = tpu.vector_load %arg4[%get3A_685, %get3A_686] {strides = array<i32>} : memref<200x128xf32, #tpu.memory_space<vmem>>, vector<1x16xf32>,
      %get3A_688 = vector.shape_cast %get3A_687 : vector<1x16xf32> to vector<16xf32>
      %add3A_689 = arith.addf %scan3A_650, %get3A_688 : vector<16xf32>
      scf.yield %add3A_654, %add3A_659, %add3A_664, %add3A_669, %add3A_674, %add3A_679, %add3A_684, %add3A_689 : vector<16xf32>, vector<16xf32>, vector<16xf32>, vector<16xf32>, vector<16xf32>, vector<16xf32>, vector<16xf32>, vector<16xf32>
    }
    %scan3A_254 = arith.constant 200 : i32
    %broadcast_in_dim3A_255 = arith.constant 0.000000e+00 : f32
    %broadcast_in_dim3A_256 = vector.broadcast %broadcast_in_dim3A_255 : f32 to vector<16xf32>
    %swap3A = arith.constant 0 : i32
    %swap3A_257 = arith.index_cast %swap3A : i32 to index
    %swap3A_258 = arith.constant 0 : index
    %swap3A_259 = tpu.vector_load %arg6[%swap3A_257, %swap3A_258] {strides = array<i32>} : memref<8x128xf32, #tpu.memory_space<vmem>>, vector<1x16xf32>,
    %swap3A_260 = vector.shape_cast %swap3A_259 : vector<1x16xf32> to vector<16xf32>
    %swap3A_261 = vector.shape_cast %scan3A_253#0 : vector<16xf32> to vector<1x16xf32>
    tpu.vector_store %arg6[%swap3A_257, %swap3A_258], %swap3A_261 {strides = array<i32>} : memref<8x128xf32, #tpu.memory_space<vmem>>, vector<1x16xf32>,
    %swap3A_262 = arith.constant 0 : i32
    %swap3A_263 = arith.index_cast %swap3A_262 : i32 to index
    %swap3A_264 = arith.constant 16 : index
    %swap3A_265 = tpu.vector_load %arg6[%swap3A_263, %swap3A_264] {strides = array<i32>} : memref<8x128xf32, #tpu.memory_space<vmem>>, vector<1x16xf32>,
    %swap3A_266 = vector.shape_cast %swap3A_265 : vector<1x16xf32> to vector<16xf32>
    %swap3A_267 = vector.shape_cast %scan3A_253#1 : vector<16xf32> to vector<1x16xf32>
    tpu.vector_store %arg6[%swap3A_263, %swap3A_264], %swap3A_267 {strides = array<i32>} : memref<8x128xf32, #tpu.memory_space<vmem>>, vector<1x16xf32>,
    %swap3A_268 = arith.constant 0 : i32
    %swap3A_269 = arith.index_cast %swap3A_268 : i32 to index
    %swap3A_270 = arith.constant 32 : index
    %swap3A_271 = tpu.vector_load %arg6[%swap3A_269, %swap3A_270] {strides = array<i32>} : memref<8x128xf32, #tpu.memory_space<vmem>>, vector<1x16xf32>,
    %swap3A_272 = vector.shape_cast %swap3A_271 : vector<1x16xf32> to vector<16xf32>
    %swap3A_273 = vector.shape_cast %scan3A_253#2 : vector<16xf32> to vector<1x16xf32>
    tpu.vector_store %arg6[%swap3A_269, %swap3A_270], %swap3A_273 {strides = array<i32>} : memref<8x128xf32, #tpu.memory_space<vmem>>, vector<1x16xf32>,
    %swap3A_274 = arith.constant 0 : i32
    %swap3A_275 = arith.index_cast %swap3A_274 : i32 to index
    %swap3A_276 = arith.constant 48 : index
    %swap3A_277 = tpu.vector_load %arg6[%swap3A_275, %swap3A_276] {strides = array<i32>} : memref<8x128xf32, #tpu.memory_space<vmem>>, vector<1x16xf32>,
    %swap3A_278 = vector.shape_cast %swap3A_277 : vector<1x16xf32> to vector<16xf32>
    %swap3A_279 = vector.shape_cast %scan3A_253#3 : vector<16xf32> to vector<1x16xf32>
    tpu.vector_store %arg6[%swap3A_275, %swap3A_276], %swap3A_279 {strides = array<i32>} : memref<8x128xf32, #tpu.memory_space<vmem>>, vector<1x16xf32>,
    %swap3A_280 = arith.constant 0 : i32
    %swap3A_281 = arith.index_cast %swap3A_280 : i32 to index
    %swap3A_282 = arith.constant 64 : index
    %swap3A_283 = tpu.vector_load %arg6[%swap3A_281, %swap3A_282] {strides = array<i32>} : memref<8x128xf32, #tpu.memory_space<vmem>>, vector<1x16xf32>,
    %swap3A_284 = vector.shape_cast %swap3A_283 : vector<1x16xf32> to vector<16xf32>
    %swap3A_285 = vector.shape_cast %scan3A_253#4 : vector<16xf32> to vector<1x16xf32>
    tpu.vector_store %arg6[%swap3A_281, %swap3A_282], %swap3A_285 {strides = array<i32>} : memref<8x128xf32, #tpu.memory_space<vmem>>, vector<1x16xf32>,
    %swap3A_286 = arith.constant 0 : i32
    %swap3A_287 = arith.index_cast %swap3A_286 : i32 to index
    %swap3A_288 = arith.constant 80 : index
    %swap3A_289 = tpu.vector_load %arg6[%swap3A_287, %swap3A_288] {strides = array<i32>} : memref<8x128xf32, #tpu.memory_space<vmem>>, vector<1x16xf32>,
    %swap3A_290 = vector.shape_cast %swap3A_289 : vector<1x16xf32> to vector<16xf32>
    %swap3A_291 = vector.shape_cast %scan3A_253#5 : vector<16xf32> to vector<1x16xf32>
    tpu.vector_store %arg6[%swap3A_287, %swap3A_288], %swap3A_291 {strides = array<i32>} : memref<8x128xf32, #tpu.memory_space<vmem>>, vector<1x16xf32>,
    %swap3A_292 = arith.constant 0 : i32
    %swap3A_293 = arith.index_cast %swap3A_292 : i32 to index
    %swap3A_294 = arith.constant 96 : index
    %swap3A_295 = tpu.vector_load %arg6[%swap3A_293, %swap3A_294] {strides = array<i32>} : memref<8x128xf32, #tpu.memory_space<vmem>>, vector<1x16xf32>,
    %swap3A_296 = vector.shape_cast %swap3A_295 : vector<1x16xf32> to vector<16xf32>
    %swap3A_297 = vector.shape_cast %scan3A_253#6 : vector<16xf32> to vector<1x16xf32>
    tpu.vector_store %arg6[%swap3A_293, %swap3A_294], %swap3A_297 {strides = array<i32>} : memref<8x128xf32, #tpu.memory_space<vmem>>, vector<1x16xf32>,
    %swap3A_298 = arith.constant 0 : i32
    %swap3A_299 = arith.index_cast %swap3A_298 : i32 to index
    %swap3A_300 = arith.constant 112 : index
    %swap3A_301 = tpu.vector_load %arg6[%swap3A_299, %swap3A_300] {strides = array<i32>} : memref<8x128xf32, #tpu.memory_space<vmem>>, vector<1x16xf32>,
    %swap3A_302 = vector.shape_cast %swap3A_301 : vector<1x16xf32> to vector<16xf32>
    %swap3A_303 = vector.shape_cast %scan3A_253#7 : vector<16xf32> to vector<1x16xf32>
    tpu.vector_store %arg6[%swap3A_299, %swap3A_300], %swap3A_303 {strides = array<i32>} : memref<8x128xf32, #tpu.memory_space<vmem>>, vector<1x16xf32>,
    %swap3A_304 = arith.constant 1 : i32
    %swap3A_305 = arith.index_cast %swap3A_304 : i32 to index
    %swap3A_306 = arith.constant 0 : index
    %swap3A_307 = tpu.vector_load %arg6[%swap3A_305, %swap3A_306] {strides = array<i32>} : memref<8x128xf32, #tpu.memory_space<vmem>>, vector<1x16xf32>,
    %swap3A_308 = vector.shape_cast %swap3A_307 : vector<1x16xf32> to vector<16xf32>
    %swap3A_309 = vector.shape_cast %broadcast_in_dim3A_256 : vector<16xf32> to vector<1x16xf32>
    tpu.vector_store %arg6[%swap3A_305, %swap3A_306], %swap3A_309 {strides = array<i32>} : memref<8x128xf32, #tpu.memory_space<vmem>>, vector<1x16xf32>,
    %swap3A_310 = arith.constant 1 : i32
    %swap3A_311 = arith.index_cast %swap3A_310 : i32 to index
    %swap3A_312 = arith.constant 16 : index
    %swap3A_313 = tpu.vector_load %arg6[%swap3A_311, %swap3A_312] {strides = array<i32>} : memref<8x128xf32, #tpu.memory_space<vmem>>, vector<1x16xf32>,
    %swap3A_314 = vector.shape_cast %swap3A_313 : vector<1x16xf32> to vector<16xf32>
    %swap3A_315 = vector.shape_cast %broadcast_in_dim3A_256 : vector<16xf32> to vector<1x16xf32>
    tpu.vector_store %arg6[%swap3A_311, %swap3A_312], %swap3A_315 {strides = array<i32>} : memref<8x128xf32, #tpu.memory_space<vmem>>, vector<1x16xf32>,
    %swap3A_316 = arith.constant 1 : i32
    %swap3A_317 = arith.index_cast %swap3A_316 : i32 to index
    %swap3A_318 = arith.constant 32 : index
    %swap3A_319 = tpu.vector_load %arg6[%swap3A_317, %swap3A_318] {strides = array<i32>} : memref<8x128xf32, #tpu.memory_space<vmem>>, vector<1x16xf32>,
    %swap3A_320 = vector.shape_cast %swap3A_319 : vector<1x16xf32> to vector<16xf32>
    %swap3A_321 = vector.shape_cast %broadcast_in_dim3A_256 : vector<16xf32> to vector<1x16xf32>
    tpu.vector_store %arg6[%swap3A_317, %swap3A_318], %swap3A_321 {strides = array<i32>} : memref<8x128xf32, #tpu.memory_space<vmem>>, vector<1x16xf32>,
    %swap3A_322 = arith.constant 1 : i32
    %swap3A_323 = arith.index_cast %swap3A_322 : i32 to index
    %swap3A_324 = arith.constant 48 : index
    %swap3A_325 = tpu.vector_load %arg6[%swap3A_323, %swap3A_324] {strides = array<i32>} : memref<8x128xf32, #tpu.memory_space<vmem>>, vector<1x16xf32>,
    %swap3A_326 = vector.shape_cast %swap3A_325 : vector<1x16xf32> to vector<16xf32>
    %swap3A_327 = vector.shape_cast %broadcast_in_dim3A_256 : vector<16xf32> to vector<1x16xf32>
    tpu.vector_store %arg6[%swap3A_323, %swap3A_324], %swap3A_327 {strides = array<i32>} : memref<8x128xf32, #tpu.memory_space<vmem>>, vector<1x16xf32>,
    %swap3A_328 = arith.constant 1 : i32
    %swap3A_329 = arith.index_cast %swap3A_328 : i32 to index
    %swap3A_330 = arith.constant 64 : index
    %swap3A_331 = tpu.vector_load %arg6[%swap3A_329, %swap3A_330] {strides = array<i32>} : memref<8x128xf32, #tpu.memory_space<vmem>>, vector<1x16xf32>,
    %swap3A_332 = vector.shape_cast %swap3A_331 : vector<1x16xf32> to vector<16xf32>
    %swap3A_333 = vector.shape_cast %broadcast_in_dim3A_256 : vector<16xf32> to vector<1x16xf32>
    tpu.vector_store %arg6[%swap3A_329, %swap3A_330], %swap3A_333 {strides = array<i32>} : memref<8x128xf32, #tpu.memory_space<vmem>>, vector<1x16xf32>,
    %swap3A_334 = arith.constant 1 : i32
    %swap3A_335 = arith.index_cast %swap3A_334 : i32 to index
    %swap3A_336 = arith.constant 80 : index
    %swap3A_337 = tpu.vector_load %arg6[%swap3A_335, %swap3A_336] {strides = array<i32>} : memref<8x128xf32, #tpu.memory_space<vmem>>, vector<1x16xf32>,
    %swap3A_338 = vector.shape_cast %swap3A_337 : vector<1x16xf32> to vector<16xf32>
    %swap3A_339 = vector.shape_cast %broadcast_in_dim3A_256 : vector<16xf32> to vector<1x16xf32>
    tpu.vector_store %arg6[%swap3A_335, %swap3A_336], %swap3A_339 {strides = array<i32>} : memref<8x128xf32, #tpu.memory_space<vmem>>, vector<1x16xf32>,
    %swap3A_340 = arith.constant 1 : i32
    %swap3A_341 = arith.index_cast %swap3A_340 : i32 to index
    %swap3A_342 = arith.constant 96 : index
    %swap3A_343 = tpu.vector_load %arg6[%swap3A_341, %swap3A_342] {strides = array<i32>} : memref<8x128xf32, #tpu.memory_space<vmem>>, vector<1x16xf32>,
    %swap3A_344 = vector.shape_cast %swap3A_343 : vector<1x16xf32> to vector<16xf32>
    %swap3A_345 = vector.shape_cast %broadcast_in_dim3A_256 : vector<16xf32> to vector<1x16xf32>
    tpu.vector_store %arg6[%swap3A_341, %swap3A_342], %swap3A_345 {strides = array<i32>} : memref<8x128xf32, #tpu.memory_space<vmem>>, vector<1x16xf32>,
    %swap3A_346 = arith.constant 1 : i32
    %swap3A_347 = arith.index_cast %swap3A_346 : i32 to index
    %swap3A_348 = arith.constant 112 : index
    %swap3A_349 = tpu.vector_load %arg6[%swap3A_347, %swap3A_348] {strides = array<i32>} : memref<8x128xf32, #tpu.memory_space<vmem>>, vector<1x16xf32>,
    %swap3A_350 = vector.shape_cast %swap3A_349 : vector<1x16xf32> to vector<16xf32>
    %swap3A_351 = vector.shape_cast %broadcast_in_dim3A_256 : vector<16xf32> to vector<1x16xf32>
    tpu.vector_store %arg6[%swap3A_347, %swap3A_348], %swap3A_351 {strides = array<i32>} : memref<8x128xf32, #tpu.memory_space<vmem>>, vector<1x16xf32>,
    %swap3A_352 = arith.constant 2 : i32
    %swap3A_353 = arith.index_cast %swap3A_352 : i32 to index
    %swap3A_354 = arith.constant 0 : index
    %swap3A_355 = tpu.vector_load %arg6[%swap3A_353, %swap3A_354] {strides = array<i32>} : memref<8x128xf32, #tpu.memory_space<vmem>>, vector<1x16xf32>,
    %swap3A_356 = vector.shape_cast %swap3A_355 : vector<1x16xf32> to vector<16xf32>
    %swap3A_357 = vector.shape_cast %broadcast_in_dim3A_256 : vector<16xf32> to vector<1x16xf32>
    tpu.vector_store %arg6[%swap3A_353, %swap3A_354], %swap3A_357 {strides = array<i32>} : memref<8x128xf32, #tpu.memory_space<vmem>>, vector<1x16xf32>,
    %swap3A_358 = arith.constant 2 : i32
    %swap3A_359 = arith.index_cast %swap3A_358 : i32 to index
    %swap3A_360 = arith.constant 16 : index
    %swap3A_361 = tpu.vector_load %arg6[%swap3A_359, %swap3A_360] {strides = array<i32>} : memref<8x128xf32, #tpu.memory_space<vmem>>, vector<1x16xf32>,
    %swap3A_362 = vector.shape_cast %swap3A_361 : vector<1x16xf32> to vector<16xf32>
    %swap3A_363 = vector.shape_cast %broadcast_in_dim3A_256 : vector<16xf32> to vector<1x16xf32>
    tpu.vector_store %arg6[%swap3A_359, %swap3A_360], %swap3A_363 {strides = array<i32>} : memref<8x128xf32, #tpu.memory_space<vmem>>, vector<1x16xf32>,
    %swap3A_364 = arith.constant 2 : i32
    %swap3A_365 = arith.index_cast %swap3A_364 : i32 to index
    %swap3A_366 = arith.constant 32 : index
    %swap3A_367 = tpu.vector_load %arg6[%swap3A_365, %swap3A_366] {strides = array<i32>} : memref<8x128xf32, #tpu.memory_space<vmem>>, vector<1x16xf32>,
    %swap3A_368 = vector.shape_cast %swap3A_367 : vector<1x16xf32> to vector<16xf32>
    %swap3A_369 = vector.shape_cast %broadcast_in_dim3A_256 : vector<16xf32> to vector<1x16xf32>
    tpu.vector_store %arg6[%swap3A_365, %swap3A_366], %swap3A_369 {strides = array<i32>} : memref<8x128xf32, #tpu.memory_space<vmem>>, vector<1x16xf32>,
    %swap3A_370 = arith.constant 2 : i32
    %swap3A_371 = arith.index_cast %swap3A_370 : i32 to index
    %swap3A_372 = arith.constant 48 : index
    %swap3A_373 = tpu.vector_load %arg6[%swap3A_371, %swap3A_372] {strides = array<i32>} : memref<8x128xf32, #tpu.memory_space<vmem>>, vector<1x16xf32>,
    %swap3A_374 = vector.shape_cast %swap3A_373 : vector<1x16xf32> to vector<16xf32>
    %swap3A_375 = vector.shape_cast %broadcast_in_dim3A_256 : vector<16xf32> to vector<1x16xf32>
    tpu.vector_store %arg6[%swap3A_371, %swap3A_372], %swap3A_375 {strides = array<i32>} : memref<8x128xf32, #tpu.memory_space<vmem>>, vector<1x16xf32>,
    %swap3A_376 = arith.constant 2 : i32
    %swap3A_377 = arith.index_cast %swap3A_376 : i32 to index
    %swap3A_378 = arith.constant 64 : index
    %swap3A_379 = tpu.vector_load %arg6[%swap3A_377, %swap3A_378] {strides = array<i32>} : memref<8x128xf32, #tpu.memory_space<vmem>>, vector<1x16xf32>,
    %swap3A_380 = vector.shape_cast %swap3A_379 : vector<1x16xf32> to vector<16xf32>
    %swap3A_381 = vector.shape_cast %broadcast_in_dim3A_256 : vector<16xf32> to vector<1x16xf32>
    tpu.vector_store %arg6[%swap3A_377, %swap3A_378], %swap3A_381 {strides = array<i32>} : memref<8x128xf32, #tpu.memory_space<vmem>>, vector<1x16xf32>,
    %swap3A_382 = arith.constant 2 : i32
    %swap3A_383 = arith.index_cast %swap3A_382 : i32 to index
    %swap3A_384 = arith.constant 80 : index
    %swap3A_385 = tpu.vector_load %arg6[%swap3A_383, %swap3A_384] {strides = array<i32>} : memref<8x128xf32, #tpu.memory_space<vmem>>, vector<1x16xf32>,
    %swap3A_386 = vector.shape_cast %swap3A_385 : vector<1x16xf32> to vector<16xf32>
    %swap3A_387 = vector.shape_cast %broadcast_in_dim3A_256 : vector<16xf32> to vector<1x16xf32>
    tpu.vector_store %arg6[%swap3A_383, %swap3A_384], %swap3A_387 {strides = array<i32>} : memref<8x128xf32, #tpu.memory_space<vmem>>, vector<1x16xf32>,
    %swap3A_388 = arith.constant 2 : i32
    %swap3A_389 = arith.index_cast %swap3A_388 : i32 to index
    %swap3A_390 = arith.constant 96 : index
    %swap3A_391 = tpu.vector_load %arg6[%swap3A_389, %swap3A_390] {strides = array<i32>} : memref<8x128xf32, #tpu.memory_space<vmem>>, vector<1x16xf32>,
    %swap3A_392 = vector.shape_cast %swap3A_391 : vector<1x16xf32> to vector<16xf32>
    %swap3A_393 = vector.shape_cast %broadcast_in_dim3A_256 : vector<16xf32> to vector<1x16xf32>
    tpu.vector_store %arg6[%swap3A_389, %swap3A_390], %swap3A_393 {strides = array<i32>} : memref<8x128xf32, #tpu.memory_space<vmem>>, vector<1x16xf32>,
    %swap3A_394 = arith.constant 2 : i32
    %swap3A_395 = arith.index_cast %swap3A_394 : i32 to index
    %swap3A_396 = arith.constant 112 : index
    %swap3A_397 = tpu.vector_load %arg6[%swap3A_395, %swap3A_396] {strides = array<i32>} : memref<8x128xf32, #tpu.memory_space<vmem>>, vector<1x16xf32>,
    %swap3A_398 = vector.shape_cast %swap3A_397 : vector<1x16xf32> to vector<16xf32>
    %swap3A_399 = vector.shape_cast %broadcast_in_dim3A_256 : vector<16xf32> to vector<1x16xf32>
    tpu.vector_store %arg6[%swap3A_395, %swap3A_396], %swap3A_399 {strides = array<i32>} : memref<8x128xf32, #tpu.memory_space<vmem>>, vector<1x16xf32>,
    %swap3A_400 = arith.constant 3 : i32
    %swap3A_401 = arith.index_cast %swap3A_400 : i32 to index
    %swap3A_402 = arith.constant 0 : index
    %swap3A_403 = tpu.vector_load %arg6[%swap3A_401, %swap3A_402] {strides = array<i32>} : memref<8x128xf32, #tpu.memory_space<vmem>>, vector<1x16xf32>,
    %swap3A_404 = vector.shape_cast %swap3A_403 : vector<1x16xf32> to vector<16xf32>
    %swap3A_405 = vector.shape_cast %broadcast_in_dim3A_256 : vector<16xf32> to vector<1x16xf32>
    tpu.vector_store %arg6[%swap3A_401, %swap3A_402], %swap3A_405 {strides = array<i32>} : memref<8x128xf32, #tpu.memory_space<vmem>>, vector<1x16xf32>,
    %swap3A_406 = arith.constant 3 : i32
    %swap3A_407 = arith.index_cast %swap3A_406 : i32 to index
    %swap3A_408 = arith.constant 16 : index
    %swap3A_409 = tpu.vector_load %arg6[%swap3A_407, %swap3A_408] {strides = array<i32>} : memref<8x128xf32, #tpu.memory_space<vmem>>, vector<1x16xf32>,
    %swap3A_410 = vector.shape_cast %swap3A_409 : vector<1x16xf32> to vector<16xf32>
    %swap3A_411 = vector.shape_cast %broadcast_in_dim3A_256 : vector<16xf32> to vector<1x16xf32>
    tpu.vector_store %arg6[%swap3A_407, %swap3A_408], %swap3A_411 {strides = array<i32>} : memref<8x128xf32, #tpu.memory_space<vmem>>, vector<1x16xf32>,
    %swap3A_412 = arith.constant 3 : i32
    %swap3A_413 = arith.index_cast %swap3A_412 : i32 to index
    %swap3A_414 = arith.constant 32 : index
    %swap3A_415 = tpu.vector_load %arg6[%swap3A_413, %swap3A_414] {strides = array<i32>} : memref<8x128xf32, #tpu.memory_space<vmem>>, vector<1x16xf32>,
    %swap3A_416 = vector.shape_cast %swap3A_415 : vector<1x16xf32> to vector<16xf32>
    %swap3A_417 = vector.shape_cast %broadcast_in_dim3A_256 : vector<16xf32> to vector<1x16xf32>
    tpu.vector_store %arg6[%swap3A_413, %swap3A_414], %swap3A_417 {strides = array<i32>} : memref<8x128xf32, #tpu.memory_space<vmem>>, vector<1x16xf32>,
    %swap3A_418 = arith.constant 3 : i32
    %swap3A_419 = arith.index_cast %swap3A_418 : i32 to index
    %swap3A_420 = arith.constant 48 : index
    %swap3A_421 = tpu.vector_load %arg6[%swap3A_419, %swap3A_420] {strides = array<i32>} : memref<8x128xf32, #tpu.memory_space<vmem>>, vector<1x16xf32>,
    %swap3A_422 = vector.shape_cast %swap3A_421 : vector<1x16xf32> to vector<16xf32>
    %swap3A_423 = vector.shape_cast %broadcast_in_dim3A_256 : vector<16xf32> to vector<1x16xf32>
    tpu.vector_store %arg6[%swap3A_419, %swap3A_420], %swap3A_423 {strides = array<i32>} : memref<8x128xf32, #tpu.memory_space<vmem>>, vector<1x16xf32>,
    %swap3A_424 = arith.constant 3 : i32
    %swap3A_425 = arith.index_cast %swap3A_424 : i32 to index
    %swap3A_426 = arith.constant 64 : index
    %swap3A_427 = tpu.vector_load %arg6[%swap3A_425, %swap3A_426] {strides = array<i32>} : memref<8x128xf32, #tpu.memory_space<vmem>>, vector<1x16xf32>,
    %swap3A_428 = vector.shape_cast %swap3A_427 : vector<1x16xf32> to vector<16xf32>
    %swap3A_429 = vector.shape_cast %broadcast_in_dim3A_256 : vector<16xf32> to vector<1x16xf32>
    tpu.vector_store %arg6[%swap3A_425, %swap3A_426], %swap3A_429 {strides = array<i32>} : memref<8x128xf32, #tpu.memory_space<vmem>>, vector<1x16xf32>,
    %swap3A_430 = arith.constant 3 : i32
    %swap3A_431 = arith.index_cast %swap3A_430 : i32 to index
    %swap3A_432 = arith.constant 80 : index
    %swap3A_433 = tpu.vector_load %arg6[%swap3A_431, %swap3A_432] {strides = array<i32>} : memref<8x128xf32, #tpu.memory_space<vmem>>, vector<1x16xf32>,
    %swap3A_434 = vector.shape_cast %swap3A_433 : vector<1x16xf32> to vector<16xf32>
    %swap3A_435 = vector.shape_cast %broadcast_in_dim3A_256 : vector<16xf32> to vector<1x16xf32>
    tpu.vector_store %arg6[%swap3A_431, %swap3A_432], %swap3A_435 {strides = array<i32>} : memref<8x128xf32, #tpu.memory_space<vmem>>, vector<1x16xf32>,
    %swap3A_436 = arith.constant 3 : i32
    %swap3A_437 = arith.index_cast %swap3A_436 : i32 to index
    %swap3A_438 = arith.constant 96 : index
    %swap3A_439 = tpu.vector_load %arg6[%swap3A_437, %swap3A_438] {strides = array<i32>} : memref<8x128xf32, #tpu.memory_space<vmem>>, vector<1x16xf32>,
    %swap3A_440 = vector.shape_cast %swap3A_439 : vector<1x16xf32> to vector<16xf32>
    %swap3A_441 = vector.shape_cast %broadcast_in_dim3A_256 : vector<16xf32> to vector<1x16xf32>
    tpu.vector_store %arg6[%swap3A_437, %swap3A_438], %swap3A_441 {strides = array<i32>} : memref<8x128xf32, #tpu.memory_space<vmem>>, vector<1x16xf32>,
    %swap3A_442 = arith.constant 3 : i32
    %swap3A_443 = arith.index_cast %swap3A_442 : i32 to index
    %swap3A_444 = arith.constant 112 : index
    %swap3A_445 = tpu.vector_load %arg6[%swap3A_443, %swap3A_444] {strides = array<i32>} : memref<8x128xf32, #tpu.memory_space<vmem>>, vector<1x16xf32>,
    %swap3A_446 = vector.shape_cast %swap3A_445 : vector<1x16xf32> to vector<16xf32>
    %swap3A_447 = vector.shape_cast %broadcast_in_dim3A_256 : vector<16xf32> to vector<1x16xf32>
    tpu.vector_store %arg6[%swap3A_443, %swap3A_444], %swap3A_447 {strides = array<i32>} : memref<8x128xf32, #tpu.memory_space<vmem>>, vector<1x16xf32>,
    %swap3A_448 = arith.constant 4 : i32
    %swap3A_449 = arith.index_cast %swap3A_448 : i32 to index
    %swap3A_450 = arith.constant 0 : index
    %swap3A_451 = tpu.vector_load %arg6[%swap3A_449, %swap3A_450] {strides = array<i32>} : memref<8x128xf32, #tpu.memory_space<vmem>>, vector<1x16xf32>,
    %swap3A_452 = vector.shape_cast %swap3A_451 : vector<1x16xf32> to vector<16xf32>
    %swap3A_453 = vector.shape_cast %broadcast_in_dim3A_256 : vector<16xf32> to vector<1x16xf32>
    tpu.vector_store %arg6[%swap3A_449, %swap3A_450], %swap3A_453 {strides = array<i32>} : memref<8x128xf32, #tpu.memory_space<vmem>>, vector<1x16xf32>,
    %swap3A_454 = arith.constant 4 : i32
    %swap3A_455 = arith.index_cast %swap3A_454 : i32 to index
    %swap3A_456 = arith.constant 16 : index
    %swap3A_457 = tpu.vector_load %arg6[%swap3A_455, %swap3A_456] {strides = array<i32>} : memref<8x128xf32, #tpu.memory_space<vmem>>, vector<1x16xf32>,
    %swap3A_458 = vector.shape_cast %swap3A_457 : vector<1x16xf32> to vector<16xf32>
    %swap3A_459 = vector.shape_cast %broadcast_in_dim3A_256 : vector<16xf32> to vector<1x16xf32>
    tpu.vector_store %arg6[%swap3A_455, %swap3A_456], %swap3A_459 {strides = array<i32>} : memref<8x128xf32, #tpu.memory_space<vmem>>, vector<1x16xf32>,
    %swap3A_460 = arith.constant 4 : i32
    %swap3A_461 = arith.index_cast %swap3A_460 : i32 to index
    %swap3A_462 = arith.constant 32 : index
    %swap3A_463 = tpu.vector_load %arg6[%swap3A_461, %swap3A_462] {strides = array<i32>} : memref<8x128xf32, #tpu.memory_space<vmem>>, vector<1x16xf32>,
    %swap3A_464 = vector.shape_cast %swap3A_463 : vector<1x16xf32> to vector<16xf32>
    %swap3A_465 = vector.shape_cast %broadcast_in_dim3A_256 : vector<16xf32> to vector<1x16xf32>
    tpu.vector_store %arg6[%swap3A_461, %swap3A_462], %swap3A_465 {strides = array<i32>} : memref<8x128xf32, #tpu.memory_space<vmem>>, vector<1x16xf32>,
    %swap3A_466 = arith.constant 4 : i32
    %swap3A_467 = arith.index_cast %swap3A_466 : i32 to index
    %swap3A_468 = arith.constant 48 : index
    %swap3A_469 = tpu.vector_load %arg6[%swap3A_467, %swap3A_468] {strides = array<i32>} : memref<8x128xf32, #tpu.memory_space<vmem>>, vector<1x16xf32>,
    %swap3A_470 = vector.shape_cast %swap3A_469 : vector<1x16xf32> to vector<16xf32>
    %swap3A_471 = vector.shape_cast %broadcast_in_dim3A_256 : vector<16xf32> to vector<1x16xf32>
    tpu.vector_store %arg6[%swap3A_467, %swap3A_468], %swap3A_471 {strides = array<i32>} : memref<8x128xf32, #tpu.memory_space<vmem>>, vector<1x16xf32>,
    %swap3A_472 = arith.constant 4 : i32
    %swap3A_473 = arith.index_cast %swap3A_472 : i32 to index
    %swap3A_474 = arith.constant 64 : index
    %swap3A_475 = tpu.vector_load %arg6[%swap3A_473, %swap3A_474] {strides = array<i32>} : memref<8x128xf32, #tpu.memory_space<vmem>>, vector<1x16xf32>,
    %swap3A_476 = vector.shape_cast %swap3A_475 : vector<1x16xf32> to vector<16xf32>
    %swap3A_477 = vector.shape_cast %broadcast_in_dim3A_256 : vector<16xf32> to vector<1x16xf32>
    tpu.vector_store %arg6[%swap3A_473, %swap3A_474], %swap3A_477 {strides = array<i32>} : memref<8x128xf32, #tpu.memory_space<vmem>>, vector<1x16xf32>,
    %swap3A_478 = arith.constant 4 : i32
    %swap3A_479 = arith.index_cast %swap3A_478 : i32 to index
    %swap3A_480 = arith.constant 80 : index
    %swap3A_481 = tpu.vector_load %arg6[%swap3A_479, %swap3A_480] {strides = array<i32>} : memref<8x128xf32, #tpu.memory_space<vmem>>, vector<1x16xf32>,
    %swap3A_482 = vector.shape_cast %swap3A_481 : vector<1x16xf32> to vector<16xf32>
    %swap3A_483 = vector.shape_cast %broadcast_in_dim3A_256 : vector<16xf32> to vector<1x16xf32>
    tpu.vector_store %arg6[%swap3A_479, %swap3A_480], %swap3A_483 {strides = array<i32>} : memref<8x128xf32, #tpu.memory_space<vmem>>, vector<1x16xf32>,
    %swap3A_484 = arith.constant 4 : i32
    %swap3A_485 = arith.index_cast %swap3A_484 : i32 to index
    %swap3A_486 = arith.constant 96 : index
    %swap3A_487 = tpu.vector_load %arg6[%swap3A_485, %swap3A_486] {strides = array<i32>} : memref<8x128xf32, #tpu.memory_space<vmem>>, vector<1x16xf32>,
    %swap3A_488 = vector.shape_cast %swap3A_487 : vector<1x16xf32> to vector<16xf32>
    %swap3A_489 = vector.shape_cast %broadcast_in_dim3A_256 : vector<16xf32> to vector<1x16xf32>
    tpu.vector_store %arg6[%swap3A_485, %swap3A_486], %swap3A_489 {strides = array<i32>} : memref<8x128xf32, #tpu.memory_space<vmem>>, vector<1x16xf32>,
    %swap3A_490 = arith.constant 4 : i32
    %swap3A_491 = arith.index_cast %swap3A_490 : i32 to index
    %swap3A_492 = arith.constant 112 : index
    %swap3A_493 = tpu.vector_load %arg6[%swap3A_491, %swap3A_492] {strides = array<i32>} : memref<8x128xf32, #tpu.memory_space<vmem>>, vector<1x16xf32>,
    %swap3A_494 = vector.shape_cast %swap3A_493 : vector<1x16xf32> to vector<16xf32>
    %swap3A_495 = vector.shape_cast %broadcast_in_dim3A_256 : vector<16xf32> to vector<1x16xf32>
    tpu.vector_store %arg6[%swap3A_491, %swap3A_492], %swap3A_495 {strides = array<i32>} : memref<8x128xf32, #tpu.memory_space<vmem>>, vector<1x16xf32>,
    %swap3A_496 = arith.constant 5 : i32
    %swap3A_497 = arith.index_cast %swap3A_496 : i32 to index
    %swap3A_498 = arith.constant 0 : index
    %swap3A_499 = tpu.vector_load %arg6[%swap3A_497, %swap3A_498] {strides = array<i32>} : memref<8x128xf32, #tpu.memory_space<vmem>>, vector<1x16xf32>,
    %swap3A_500 = vector.shape_cast %swap3A_499 : vector<1x16xf32> to vector<16xf32>
    %swap3A_501 = vector.shape_cast %broadcast_in_dim3A_256 : vector<16xf32> to vector<1x16xf32>
    tpu.vector_store %arg6[%swap3A_497, %swap3A_498], %swap3A_501 {strides = array<i32>} : memref<8x128xf32, #tpu.memory_space<vmem>>, vector<1x16xf32>,
    %swap3A_502 = arith.constant 5 : i32
    %swap3A_503 = arith.index_cast %swap3A_502 : i32 to index
    %swap3A_504 = arith.constant 16 : index
    %swap3A_505 = tpu.vector_load %arg6[%swap3A_503, %swap3A_504] {strides = array<i32>} : memref<8x128xf32, #tpu.memory_space<vmem>>, vector<1x16xf32>,
    %swap3A_506 = vector.shape_cast %swap3A_505 : vector<1x16xf32> to vector<16xf32>
    %swap3A_507 = vector.shape_cast %broadcast_in_dim3A_256 : vector<16xf32> to vector<1x16xf32>
    tpu.vector_store %arg6[%swap3A_503, %swap3A_504], %swap3A_507 {strides = array<i32>} : memref<8x128xf32, #tpu.memory_space<vmem>>, vector<1x16xf32>,
    %swap3A_508 = arith.constant 5 : i32
    %swap3A_509 = arith.index_cast %swap3A_508 : i32 to index
    %swap3A_510 = arith.constant 32 : index
    %swap3A_511 = tpu.vector_load %arg6[%swap3A_509, %swap3A_510] {strides = array<i32>} : memref<8x128xf32, #tpu.memory_space<vmem>>, vector<1x16xf32>,
    %swap3A_512 = vector.shape_cast %swap3A_511 : vector<1x16xf32> to vector<16xf32>
    %swap3A_513 = vector.shape_cast %broadcast_in_dim3A_256 : vector<16xf32> to vector<1x16xf32>
    tpu.vector_store %arg6[%swap3A_509, %swap3A_510], %swap3A_513 {strides = array<i32>} : memref<8x128xf32, #tpu.memory_space<vmem>>, vector<1x16xf32>,
    %swap3A_514 = arith.constant 5 : i32
    %swap3A_515 = arith.index_cast %swap3A_514 : i32 to index
    %swap3A_516 = arith.constant 48 : index
    %swap3A_517 = tpu.vector_load %arg6[%swap3A_515, %swap3A_516] {strides = array<i32>} : memref<8x128xf32, #tpu.memory_space<vmem>>, vector<1x16xf32>,
    %swap3A_518 = vector.shape_cast %swap3A_517 : vector<1x16xf32> to vector<16xf32>
    %swap3A_519 = vector.shape_cast %broadcast_in_dim3A_256 : vector<16xf32> to vector<1x16xf32>
    tpu.vector_store %arg6[%swap3A_515, %swap3A_516], %swap3A_519 {strides = array<i32>} : memref<8x128xf32, #tpu.memory_space<vmem>>, vector<1x16xf32>,
    %swap3A_520 = arith.constant 5 : i32
    %swap3A_521 = arith.index_cast %swap3A_520 : i32 to index
    %swap3A_522 = arith.constant 64 : index
    %swap3A_523 = tpu.vector_load %arg6[%swap3A_521, %swap3A_522] {strides = array<i32>} : memref<8x128xf32, #tpu.memory_space<vmem>>, vector<1x16xf32>,
    %swap3A_524 = vector.shape_cast %swap3A_523 : vector<1x16xf32> to vector<16xf32>
    %swap3A_525 = vector.shape_cast %broadcast_in_dim3A_256 : vector<16xf32> to vector<1x16xf32>
    tpu.vector_store %arg6[%swap3A_521, %swap3A_522], %swap3A_525 {strides = array<i32>} : memref<8x128xf32, #tpu.memory_space<vmem>>, vector<1x16xf32>,
    %swap3A_526 = arith.constant 5 : i32
    %swap3A_527 = arith.index_cast %swap3A_526 : i32 to index
    %swap3A_528 = arith.constant 80 : index
    %swap3A_529 = tpu.vector_load %arg6[%swap3A_527, %swap3A_528] {strides = array<i32>} : memref<8x128xf32, #tpu.memory_space<vmem>>, vector<1x16xf32>,
    %swap3A_530 = vector.shape_cast %swap3A_529 : vector<1x16xf32> to vector<16xf32>
    %swap3A_531 = vector.shape_cast %broadcast_in_dim3A_256 : vector<16xf32> to vector<1x16xf32>
    tpu.vector_store %arg6[%swap3A_527, %swap3A_528], %swap3A_531 {strides = array<i32>} : memref<8x128xf32, #tpu.memory_space<vmem>>, vector<1x16xf32>,
    %swap3A_532 = arith.constant 5 : i32
    %swap3A_533 = arith.index_cast %swap3A_532 : i32 to index
    %swap3A_534 = arith.constant 96 : index
    %swap3A_535 = tpu.vector_load %arg6[%swap3A_533, %swap3A_534] {strides = array<i32>} : memref<8x128xf32, #tpu.memory_space<vmem>>, vector<1x16xf32>,
    %swap3A_536 = vector.shape_cast %swap3A_535 : vector<1x16xf32> to vector<16xf32>
    %swap3A_537 = vector.shape_cast %broadcast_in_dim3A_256 : vector<16xf32> to vector<1x16xf32>
    tpu.vector_store %arg6[%swap3A_533, %swap3A_534], %swap3A_537 {strides = array<i32>} : memref<8x128xf32, #tpu.memory_space<vmem>>, vector<1x16xf32>,
    %swap3A_538 = arith.constant 5 : i32
    %swap3A_539 = arith.index_cast %swap3A_538 : i32 to index
    %swap3A_540 = arith.constant 112 : index
    %swap3A_541 = tpu.vector_load %arg6[%swap3A_539, %swap3A_540] {strides = array<i32>} : memref<8x128xf32, #tpu.memory_space<vmem>>, vector<1x16xf32>,
    %swap3A_542 = vector.shape_cast %swap3A_541 : vector<1x16xf32> to vector<16xf32>
    %swap3A_543 = vector.shape_cast %broadcast_in_dim3A_256 : vector<16xf32> to vector<1x16xf32>
    tpu.vector_store %arg6[%swap3A_539, %swap3A_540], %swap3A_543 {strides = array<i32>} : memref<8x128xf32, #tpu.memory_space<vmem>>, vector<1x16xf32>,
    %swap3A_544 = arith.constant 6 : i32
    %swap3A_545 = arith.index_cast %swap3A_544 : i32 to index
    %swap3A_546 = arith.constant 0 : index
    %swap3A_547 = tpu.vector_load %arg6[%swap3A_545, %swap3A_546] {strides = array<i32>} : memref<8x128xf32, #tpu.memory_space<vmem>>, vector<1x16xf32>,
    %swap3A_548 = vector.shape_cast %swap3A_547 : vector<1x16xf32> to vector<16xf32>
    %swap3A_549 = vector.shape_cast %broadcast_in_dim3A_256 : vector<16xf32> to vector<1x16xf32>
    tpu.vector_store %arg6[%swap3A_545, %swap3A_546], %swap3A_549 {strides = array<i32>} : memref<8x128xf32, #tpu.memory_space<vmem>>, vector<1x16xf32>,
    %swap3A_550 = arith.constant 6 : i32
    %swap3A_551 = arith.index_cast %swap3A_550 : i32 to index
    %swap3A_552 = arith.constant 16 : index
    %swap3A_553 = tpu.vector_load %arg6[%swap3A_551, %swap3A_552] {strides = array<i32>} : memref<8x128xf32, #tpu.memory_space<vmem>>, vector<1x16xf32>,
    %swap3A_554 = vector.shape_cast %swap3A_553 : vector<1x16xf32> to vector<16xf32>
    %swap3A_555 = vector.shape_cast %broadcast_in_dim3A_256 : vector<16xf32> to vector<1x16xf32>
    tpu.vector_store %arg6[%swap3A_551, %swap3A_552], %swap3A_555 {strides = array<i32>} : memref<8x128xf32, #tpu.memory_space<vmem>>, vector<1x16xf32>,
    %swap3A_556 = arith.constant 6 : i32
    %swap3A_557 = arith.index_cast %swap3A_556 : i32 to index
    %swap3A_558 = arith.constant 32 : index
    %swap3A_559 = tpu.vector_load %arg6[%swap3A_557, %swap3A_558] {strides = array<i32>} : memref<8x128xf32, #tpu.memory_space<vmem>>, vector<1x16xf32>,
    %swap3A_560 = vector.shape_cast %swap3A_559 : vector<1x16xf32> to vector<16xf32>
    %swap3A_561 = vector.shape_cast %broadcast_in_dim3A_256 : vector<16xf32> to vector<1x16xf32>
    tpu.vector_store %arg6[%swap3A_557, %swap3A_558], %swap3A_561 {strides = array<i32>} : memref<8x128xf32, #tpu.memory_space<vmem>>, vector<1x16xf32>,
    %swap3A_562 = arith.constant 6 : i32
    %swap3A_563 = arith.index_cast %swap3A_562 : i32 to index
    %swap3A_564 = arith.constant 48 : index
    %swap3A_565 = tpu.vector_load %arg6[%swap3A_563, %swap3A_564] {strides = array<i32>} : memref<8x128xf32, #tpu.memory_space<vmem>>, vector<1x16xf32>,
    %swap3A_566 = vector.shape_cast %swap3A_565 : vector<1x16xf32> to vector<16xf32>
    %swap3A_567 = vector.shape_cast %broadcast_in_dim3A_256 : vector<16xf32> to vector<1x16xf32>
    tpu.vector_store %arg6[%swap3A_563, %swap3A_564], %swap3A_567 {strides = array<i32>} : memref<8x128xf32, #tpu.memory_space<vmem>>, vector<1x16xf32>,
    %swap3A_568 = arith.constant 6 : i32
    %swap3A_569 = arith.index_cast %swap3A_568 : i32 to index
    %swap3A_570 = arith.constant 64 : index
    %swap3A_571 = tpu.vector_load %arg6[%swap3A_569, %swap3A_570] {strides = array<i32>} : memref<8x128xf32, #tpu.memory_space<vmem>>, vector<1x16xf32>,
    %swap3A_572 = vector.shape_cast %swap3A_571 : vector<1x16xf32> to vector<16xf32>
    %swap3A_573 = vector.shape_cast %broadcast_in_dim3A_256 : vector<16xf32> to vector<1x16xf32>
    tpu.vector_store %arg6[%swap3A_569, %swap3A_570], %swap3A_573 {strides = array<i32>} : memref<8x128xf32, #tpu.memory_space<vmem>>, vector<1x16xf32>,
    %swap3A_574 = arith.constant 6 : i32
    %swap3A_575 = arith.index_cast %swap3A_574 : i32 to index
    %swap3A_576 = arith.constant 80 : index
    %swap3A_577 = tpu.vector_load %arg6[%swap3A_575, %swap3A_576] {strides = array<i32>} : memref<8x128xf32, #tpu.memory_space<vmem>>, vector<1x16xf32>,
    %swap3A_578 = vector.shape_cast %swap3A_577 : vector<1x16xf32> to vector<16xf32>
    %swap3A_579 = vector.shape_cast %broadcast_in_dim3A_256 : vector<16xf32> to vector<1x16xf32>
    tpu.vector_store %arg6[%swap3A_575, %swap3A_576], %swap3A_579 {strides = array<i32>} : memref<8x128xf32, #tpu.memory_space<vmem>>, vector<1x16xf32>,
    %swap3A_580 = arith.constant 6 : i32
    %swap3A_581 = arith.index_cast %swap3A_580 : i32 to index
    %swap3A_582 = arith.constant 96 : index
    %swap3A_583 = tpu.vector_load %arg6[%swap3A_581, %swap3A_582] {strides = array<i32>} : memref<8x128xf32, #tpu.memory_space<vmem>>, vector<1x16xf32>,
    %swap3A_584 = vector.shape_cast %swap3A_583 : vector<1x16xf32> to vector<16xf32>
    %swap3A_585 = vector.shape_cast %broadcast_in_dim3A_256 : vector<16xf32> to vector<1x16xf32>
    tpu.vector_store %arg6[%swap3A_581, %swap3A_582], %swap3A_585 {strides = array<i32>} : memref<8x128xf32, #tpu.memory_space<vmem>>, vector<1x16xf32>,
    %swap3A_586 = arith.constant 6 : i32
    %swap3A_587 = arith.index_cast %swap3A_586 : i32 to index
    %swap3A_588 = arith.constant 112 : index
    %swap3A_589 = tpu.vector_load %arg6[%swap3A_587, %swap3A_588] {strides = array<i32>} : memref<8x128xf32, #tpu.memory_space<vmem>>, vector<1x16xf32>,
    %swap3A_590 = vector.shape_cast %swap3A_589 : vector<1x16xf32> to vector<16xf32>
    %swap3A_591 = vector.shape_cast %broadcast_in_dim3A_256 : vector<16xf32> to vector<1x16xf32>
    tpu.vector_store %arg6[%swap3A_587, %swap3A_588], %swap3A_591 {strides = array<i32>} : memref<8x128xf32, #tpu.memory_space<vmem>>, vector<1x16xf32>,
    %swap3A_592 = arith.constant 7 : i32
    %swap3A_593 = arith.index_cast %swap3A_592 : i32 to index
    %swap3A_594 = arith.constant 0 : index
    %swap3A_595 = tpu.vector_load %arg6[%swap3A_593, %swap3A_594] {strides = array<i32>} : memref<8x128xf32, #tpu.memory_space<vmem>>, vector<1x16xf32>,
    %swap3A_596 = vector.shape_cast %swap3A_595 : vector<1x16xf32> to vector<16xf32>
    %swap3A_597 = vector.shape_cast %broadcast_in_dim3A_256 : vector<16xf32> to vector<1x16xf32>
    tpu.vector_store %arg6[%swap3A_593, %swap3A_594], %swap3A_597 {strides = array<i32>} : memref<8x128xf32, #tpu.memory_space<vmem>>, vector<1x16xf32>,
    %swap3A_598 = arith.constant 7 : i32
    %swap3A_599 = arith.index_cast %swap3A_598 : i32 to index
    %swap3A_600 = arith.constant 16 : index
    %swap3A_601 = tpu.vector_load %arg6[%swap3A_599, %swap3A_600] {strides = array<i32>} : memref<8x128xf32, #tpu.memory_space<vmem>>, vector<1x16xf32>,
    %swap3A_602 = vector.shape_cast %swap3A_601 : vector<1x16xf32> to vector<16xf32>
    %swap3A_603 = vector.shape_cast %broadcast_in_dim3A_256 : vector<16xf32> to vector<1x16xf32>
    tpu.vector_store %arg6[%swap3A_599, %swap3A_600], %swap3A_603 {strides = array<i32>} : memref<8x128xf32, #tpu.memory_space<vmem>>, vector<1x16xf32>,
    %swap3A_604 = arith.constant 7 : i32
    %swap3A_605 = arith.index_cast %swap3A_604 : i32 to index
    %swap3A_606 = arith.constant 32 : index
    %swap3A_607 = tpu.vector_load %arg6[%swap3A_605, %swap3A_606] {strides = array<i32>} : memref<8x128xf32, #tpu.memory_space<vmem>>, vector<1x16xf32>,
    %swap3A_608 = vector.shape_cast %swap3A_607 : vector<1x16xf32> to vector<16xf32>
    %swap3A_609 = vector.shape_cast %broadcast_in_dim3A_256 : vector<16xf32> to vector<1x16xf32>
    tpu.vector_store %arg6[%swap3A_605, %swap3A_606], %swap3A_609 {strides = array<i32>} : memref<8x128xf32, #tpu.memory_space<vmem>>, vector<1x16xf32>,
    %swap3A_610 = arith.constant 7 : i32
    %swap3A_611 = arith.index_cast %swap3A_610 : i32 to index
    %swap3A_612 = arith.constant 48 : index
    %swap3A_613 = tpu.vector_load %arg6[%swap3A_611, %swap3A_612] {strides = array<i32>} : memref<8x128xf32, #tpu.memory_space<vmem>>, vector<1x16xf32>,
    %swap3A_614 = vector.shape_cast %swap3A_613 : vector<1x16xf32> to vector<16xf32>
    %swap3A_615 = vector.shape_cast %broadcast_in_dim3A_256 : vector<16xf32> to vector<1x16xf32>
    tpu.vector_store %arg6[%swap3A_611, %swap3A_612], %swap3A_615 {strides = array<i32>} : memref<8x128xf32, #tpu.memory_space<vmem>>, vector<1x16xf32>,
    %swap3A_616 = arith.constant 7 : i32
    %swap3A_617 = arith.index_cast %swap3A_616 : i32 to index
    %swap3A_618 = arith.constant 64 : index
    %swap3A_619 = tpu.vector_load %arg6[%swap3A_617, %swap3A_618] {strides = array<i32>} : memref<8x128xf32, #tpu.memory_space<vmem>>, vector<1x16xf32>,
    %swap3A_620 = vector.shape_cast %swap3A_619 : vector<1x16xf32> to vector<16xf32>
    %swap3A_621 = vector.shape_cast %broadcast_in_dim3A_256 : vector<16xf32> to vector<1x16xf32>
    tpu.vector_store %arg6[%swap3A_617, %swap3A_618], %swap3A_621 {strides = array<i32>} : memref<8x128xf32, #tpu.memory_space<vmem>>, vector<1x16xf32>,
    %swap3A_622 = arith.constant 7 : i32
    %swap3A_623 = arith.index_cast %swap3A_622 : i32 to index
    %swap3A_624 = arith.constant 80 : index
    %swap3A_625 = tpu.vector_load %arg6[%swap3A_623, %swap3A_624] {strides = array<i32>} : memref<8x128xf32, #tpu.memory_space<vmem>>, vector<1x16xf32>,
    %swap3A_626 = vector.shape_cast %swap3A_625 : vector<1x16xf32> to vector<16xf32>
    %swap3A_627 = vector.shape_cast %broadcast_in_dim3A_256 : vector<16xf32> to vector<1x16xf32>
    tpu.vector_store %arg6[%swap3A_623, %swap3A_624], %swap3A_627 {strides = array<i32>} : memref<8x128xf32, #tpu.memory_space<vmem>>, vector<1x16xf32>,
    %swap3A_628 = arith.constant 7 : i32
    %swap3A_629 = arith.index_cast %swap3A_628 : i32 to index
    %swap3A_630 = arith.constant 96 : index
    %swap3A_631 = tpu.vector_load %arg6[%swap3A_629, %swap3A_630] {strides = array<i32>} : memref<8x128xf32, #tpu.memory_space<vmem>>, vector<1x16xf32>,
    %swap3A_632 = vector.shape_cast %swap3A_631 : vector<1x16xf32> to vector<16xf32>
    %swap3A_633 = vector.shape_cast %broadcast_in_dim3A_256 : vector<16xf32> to vector<1x16xf32>
    tpu.vector_store %arg6[%swap3A_629, %swap3A_630], %swap3A_633 {strides = array<i32>} : memref<8x128xf32, #tpu.memory_space<vmem>>, vector<1x16xf32>,
    %swap3A_634 = arith.constant 7 : i32
    %swap3A_635 = arith.index_cast %swap3A_634 : i32 to index
    %swap3A_636 = arith.constant 112 : index
    %swap3A_637 = tpu.vector_load %arg6[%swap3A_635, %swap3A_636] {strides = array<i32>} : memref<8x128xf32, #tpu.memory_space<vmem>>, vector<1x16xf32>,
    %swap3A_638 = vector.shape_cast %swap3A_637 : vector<1x16xf32> to vector<16xf32>
    %swap3A_639 = vector.shape_cast %broadcast_in_dim3A_256 : vector<16xf32> to vector<1x16xf32>
    tpu.vector_store %arg6[%swap3A_635, %swap3A_636], %swap3A_639 {strides = array<i32>} : memref<8x128xf32, #tpu.memory_space<vmem>>, vector<1x16xf32>,
    %mul3A_640 = arith.constant 8 : i32
    %mul3A_641 = arith.muli %add3A, %mul3A_640 : i32
    "tpu.region"() ({
      %run_scoped3A = tpu.sem_alloc : memref<!tpu.dma_semaphore, #tpu.memory_space<semaphore_mem>>
      %dma_start3A_642 = arith.constant 0 : i32
      %dma_start3A_643 = tpu.memref_slice %arg3[%mul3A_641, %dma_start3A_642] : memref<256x128xf32, #tpu.memory_space<hbm>> -> memref<8x128xf32, #tpu.memory_space<hbm>>
      %dma_start3A_644 = arith.constant 0 : i32
      %dma_start3A_645 = tpu.memref_slice %arg3[%mul3A_641, %dma_start3A_644] : memref<256x128xf32, #tpu.memory_space<hbm>> -> memref<8x128xf32, #tpu.memory_space<hbm>>
      tpu.enqueue_dma source(%arg6 : memref<8x128xf32, #tpu.memory_space<vmem>>) target(%dma_start3A_645 : memref<8x128xf32, #tpu.memory_space<hbm>>) target_semaphore(%run_scoped3A : memref<!tpu.dma_semaphore, #tpu.memory_space<semaphore_mem>>)
      %dma_wait3A_646 = arith.constant 0 : i32
      %dma_wait3A_647 = tpu.memref_slice %arg3[%mul3A_641, %dma_wait3A_646] : memref<256x128xf32, #tpu.memory_space<hbm>> -> memref<8x128xf32, #tpu.memory_space<hbm>>
      %dma_wait3A_648 = arith.constant 0 : i32
      %dma_wait3A_649 = tpu.memref_slice %arg3[%mul3A_641, %dma_wait3A_648] : memref<256x128xf32, #tpu.memory_space<hbm>> -> memref<8x128xf32, #tpu.memory_space<hbm>>
      tpu.wait_dma2 semaphore(%run_scoped3A : memref<!tpu.dma_semaphore, #tpu.memory_space<semaphore_mem>>) src(%arg6 : memref<8x128xf32, #tpu.memory_space<vmem>>) dst(%dma_wait3A_649 : memref<8x128xf32, #tpu.memory_space<hbm>>)
      tpu.yield
    }) : () -> ()
    return
  }
}

</mosaic_0001>

<sc_bundles>
// kernel: _sc_sum.3.cloned.1.call-start
scs
__scs_entry_jumppad:
0x0: {  	(pc) =	sbr.rel $0x88, $3  }
0x1: {  	(tag) =	ssettag $0x0;
	lr =	simm.s32 $0x1  }
0x2: {  	[smem:$0x3FA0] =	sst lr;
	_ =	strace $0xD0000000  }
0x3: {  	_ = 	snop  }
0x4: {  	_ = 	snop  }
0x5: {  	_ = 	snop  }
0x6: {  	_ = 	snop  }
0x7: {  	_ = 	snop  }
__scs_overlays_trampoline_lowered:
0x8: {  	[smem:$0x3FAF] =	sst s0  }
0x9: {  	[smem:$0x3FB0] =	sst s1  }
0xa: {  	[smem:$0x3FB1] =	sst s2  }
0xb: {  	[smem:$0x3FB2] =	sst s3  }
0xc: {  	[smem:$0x3FB3] =	sst s4  }
0xd: {  	[smem:$0x3FB4] =	sst s5  }
0xe: {  	[smem:$0x3FB5] =	sst s6  }
0xf: {  	[smem:$0x3FB6] =	sst s7  }
0x10: {  	[smem:$0x3FB7] =	sst s8  }
0x11: {  	[smem:$0x3FB8] =	sst s9;
	s0 =	simm.s32 @!p0 $0x0  }
0x12: {  	s1 =	sld [smem:$0x3F9E];
	s0 =	simm.s32 @p0 $0x1  }
0x13: {  	[smem:$0x3FB9] =	sst s0;
	s0 =	simm.s32 @!p1 $0x0  }
0x14: {  	s2 =	sld [smem:$0x3F9D];
	s0 =	simm.s32 @p1 $0x1  }
0x15: {  	[smem:$0x3FBA] =	sst s0;
	s0 =	simm.s32 @!p2 $0x0  }
0x16: {  	s3 =	sld [smem:$0x3FDB];
	s0 =	simm.s32 @p2 $0x1  }
0x17: {  	s4 =	simm.s32 $0x1BF5;
	[smem:$0x3FBC] =	sst s0  }
0x18: {  	s0 =	sld [smem:$0x3F9F];
	_ =	swait.ge [sflag:s4], $0x0  }
0x19: {  	s7 =	sld [smem:$0x3FA0]  }
0x1a: {  	s8 =	sadd.s32 $0xFFFFE003, lr  }
0x1b: {  	s9 =	sadd.s32 $0xFFFFFEF7, lr;
	s5 =	simm.s32 $0xFFFFFFFF;
	p2 =	slt.u32 s8, $0xFFFFF086  }
0x1c: {  	p1 =	slt.u32 s9, $0xF7A;
	s5 =	simm.s32 @!p2 $0x0  }
0x1d: {  	s5 =	simm.s32 @p1 $0x1;
	p0 =	seq.s32 s7, s2  }
0x1e: {  	s7 =	smul.u32 @!p0 $0xF7A, s2;
	p2 =	seq.s32 @!p0 s5, $0x0  }
0x1f: {  	s9 =	smul.u32 $0xF7A, s1;
	s8 =	simm.s32 @!p0 $0x1BF5;
	p2 =	por !p2, p0  }
0x20: {  	[sflag:s8] =	ssyncset.s32 @!p0 $0xFFFFF086;
	s6 =	sadd.s32 @!p0 s3, s7;
	s7 =	simm.s32 @!p0 $0x108  }
0x21: {  	s3 =	sadd.s32 s3, s9;
	s6 =	sadd.s32 @!p0 $0x88, s6;
	s7 =	simm.s32 @p2 $0x1082  }
0x22: {  	[simem:s7], [sflag:s8] =	dma.local @!p0 [hbm:s6], $0xF7A  }
0x23: {  	s9 =	sor.u32 $0xD0000000, s2;
	s6 =	simm.s32 $0x108;
	_ =	swait.ge @!p0 [sflag:s8], $0x0  }
0x24: {  	s3 =	sadd.s32 $0x88, s3;
	s6 =	simm.s32 @!p1 $0x1082;
	[sflag:s4] =	ssyncset.s32 $0xFFFFF086  }
0x25: {  	[simem:s6], [sflag:s4] =	dma.local [hbm:s3], $0xF7A  }
0x26: {  	[smem:$0x3FA0] =	sst s1;
	(tag) =	ssettag s2;
	_ =	strace s9  }
0x27: {  	s1 =	sld [smem:$0x3FB0]  }
0x28: {  	s2 =	sld [smem:$0x3FB1]  }
0x29: {  	s4 =	sld [smem:$0x3FB3]  }
0x2a: {  	p0 =	seq.s32 s5, $0x0;
	s5 =	sld [smem:$0x3FB4]  }
0x2b: {  	s6 =	sld [smem:$0x3FB5]  }
0x2c: {  	s7 =	sld [smem:$0x3FB6]  }
0x2d: {  	s3 =	simm.s32 $0x108;
	s8 =	sld [smem:$0x3FB7]  }
0x2e: {  	s3 =	simm.s32 @!p0 $0x1082;
	s9 =	sld [smem:$0x3FB8]  }
0x2f: {  	lr =	sadd.s32 s0, s3;
	s0 =	sld [smem:$0x3FAF]  }
0x30: {  	s3 =	sld [smem:$0x3FB2]  }
0x31: {  	[smem:$0x3FBB] =	sst s10  }
0x32: {  	s10 =	sld [smem:$0x3FB9];
	_ =	sdelay $0x3  }
0x33: {  	p0 =	seq.s32 s10, $0x1;
	s10 =	sld [smem:$0x3FBB];
	_ =	sdelay $0x3  }
0x34: {  	[smem:$0x3FBB] =	sst s10  }
0x35: {  	s10 =	sld [smem:$0x3FBA];
	_ =	sdelay $0x3  }
0x36: {  	p1 =	seq.s32 s10, $0x1;
	s10 =	sld [smem:$0x3FBB];
	_ =	sdelay $0x3  }
0x37: {  	[smem:$0x3FBB] =	sst s10  }
0x38: {  	s10 =	sld [smem:$0x3FBC]  }
0x39: {  	_ = 	snop;
	(pc) =	sbr.ind lr, $3  }
0x3a: {  	_ = 	snop  }
0x3b: {  	_ = 	snop  }
0x3c: {  	p2 =	seq.s32 s10, $0x1;
	s10 =	sld [smem:$0x3FBB]  }
0x3d: {  	_ =	shalt  }
0x3e: {  	_ =	shalt  }
0x3f: {  	_ =	shalt  }
0x40: {  	_ =	shalt  }
0x41: {  	_ =	shalt  }
0x42: {  	_ =	shalt  }
0x43: {  	_ =	shalt  }
0x44: {  	_ =	shalt  }
0x45: {  	_ =	shalt  }
0x46: {  	_ =	shalt  }
0x47: {  	_ =	shalt  }
0x48: {  	_ =	shalt  }
0x49: {  	_ =	shalt  }
0x4a: {  	_ =	shalt  }
0x4b: {  	_ =	shalt  }
0x4c: {  	_ =	shalt  }
0x4d: {  	_ =	shalt  }
0x4e: {  	_ =	shalt  }
0x4f: {  	_ =	shalt  }
0x50: {  	_ =	shalt  }
0x51: {  	_ =	shalt  }
0x52: {  	_ =	shalt  }
0x53: {  	_ =	shalt  }
0x54: {  	_ =	shalt  }
0x55: {  	_ =	shalt  }
0x56: {  	_ =	shalt  }
0x57: {  	_ =	shalt  }
0x58: {  	_ =	shalt  }
0x59: {  	_ =	shalt  }
0x5a: {  	_ =	shalt  }
0x5b: {  	_ =	shalt  }
0x5c: {  	_ =	shalt  }
0x5d: {  	_ =	shalt  }
0x5e: {  	_ =	shalt  }
0x5f: {  	_ =	shalt  }
0x60: {  	_ =	shalt  }
0x61: {  	_ =	shalt  }
0x62: {  	_ =	shalt  }
0x63: {  	_ =	shalt  }
0x64: {  	_ =	shalt  }
0x65: {  	_ =	shalt  }
0x66: {  	_ =	shalt  }
0x67: {  	_ =	shalt  }
0x68: {  	_ =	shalt  }
0x69: {  	_ =	shalt  }
0x6a: {  	_ =	shalt  }
0x6b: {  	_ =	shalt  }
0x6c: {  	_ =	shalt  }
0x6d: {  	_ =	shalt  }
0x6e: {  	_ =	shalt  }
0x6f: {  	_ =	shalt  }
0x70: {  	_ =	shalt  }
0x71: {  	_ =	shalt  }
0x72: {  	_ =	shalt  }
0x73: {  	_ =	shalt  }
0x74: {  	_ =	shalt  }
0x75: {  	_ =	shalt  }
0x76: {  	_ =	shalt  }
0x77: {  	_ =	shalt  }
0x78: {  	_ =	shalt  }
0x79: {  	_ =	shalt  }
0x7a: {  	_ =	shalt  }
0x7b: {  	_ =	shalt  }
0x7c: {  	_ =	shalt  }
0x7d: {  	_ =	shalt  }
0x7e: {  	_ =	shalt  }
0x7f: {  	_ =	shalt  }
0x80: {  	_ =	shalt  }
0x81: {  	_ =	shalt  }
0x82: {  	_ =	shalt  }
0x83: {  	_ =	shalt  }
0x84: {  	_ =	shalt  }
0x85: {  	_ =	shalt  }
0x86: {  	_ =	shalt  }
0x87: {  	_ =	shalt  }
.Lfunc_end0:
.L_simem_size_0:
called_computation_lowered:
.L_overlay_start_0:
0x88: {  	s2 =	sld [smem:$0x3FD9]  }
0x89: {  	s3 =	sld [smem:$0x3FFE];
	_ =	sdelay $0x1  }
0x8a: {  	s1 =	srdreg.scid  }
0x8b: {  	s0 =	sand.u32 $0x1, s1  }
0x8c: {  	s18 =	sshll.u32 s0, $0xA;
	s2 =	sadd.s32 s3, s2  }
0x8d: {  	s2 =	sadd.s32 s2, s18  }
0x8e: {  	[smem:$0x3FC7] =	sst s2  }
0x8f: {  	_ = 	snop  }
0x90: {  	s2 =	sld [smem:$0x3FC9]  }
0x91: {  	s19 =	sld [smem:$0x3FD0];
	(tm) =	ssettm $0x1  }
0x92: {  	s4 =	sld [smem:$0x3FFB];
	_ =	sdelay $0x3  }
0x93: {  	_ =	strace s4  }
0x94: {  	s4 =	sld [smem:$0x3FFC];
	_ =	sdelay $0x3  }
0x95: {  	_ =	strace s4  }
0x96: {  	s4 =	sld [smem:$0x3FFD];
	_ =	sdelay $0x3  }
0x97: {  	_ =	strace s4  }
0x98: {  	_ =	strace $0x8FFFFFFF  }
0x99: {  	s20 =	sld [smem:$0x3FDB];
	_ =	sdelay $0x1  }
0x9a: {  	s5 =	simm.s32 $_scs_section_size  }
0x9b: {  	s6 =	simm.s32 $_size__tile_overlayer_lowered;
	s7 =	simm.s32 $_tile_overlayer_lowered  }
0x9c: {  	s23 =	simm.s32 $0x1BFF;
	s22 =	sshll.u32 s7, $0x1;
	s4 =	sadd.s32 s5, s20  }
0x9d: {  	s8 =	simm.s32 $0x0;
	s21 =	sshll.u32 s6, $0x1;
	s6 =	sadd.s32 s22, s4  }
0x9e: {  	[timem:s8], [sflag:s23] =	dma.local [hbm:s6], s21  }
0x9f: {  	_ =	swait.ge [sflag:s23], s21  }
0xa0: {  	s5 =	ssub.s32 $0x0, s21;
	[sflag:s23] =	ssyncset.done $0x0  }
0xa1: {  	[sflag:s23] =	ssyncadd.s32 s5;
	_ =	sdelay $0x1  }
0xa2: {  	s24 =	simm.s32 $0x1B8B  }
0xa3: {  	_ =	swait.ge [sflag:s24], $0x1  }
0xa4: {  	[sflag:s24] =	ssyncset.done $0x0  }
0xa5: {  	s25 =	simm.s32 $0x1B8E;
	[sflag:s24] =	ssyncadd.s32 $0xFFFFFFFF  }
0xa6: {  	s26 =	simm.s32 $execute0_lowered;
	[smem:$0x3FD2] =	sst s25  }
0xa7: {  	s5 =	sshll.u32 s26, $0x1;
	_ =	strace $0x80000046;
	[dreg:$0x1] =	wrdreg $0xFFFFFFFF  }
0xa8: {  	s28 =	simm.s32 $_size_execute0_lowered;
	s4 =	sadd.s32 s4, s5;
	[dreg:$0x0] =	wrdreg $0x0  }
0xa9: {  	s5 =	sshll.u32 s28, $0x1;
	[dreg:$0x2] =	wrdreg s4  }
0xaa: {  	[dreg:$0x3] =	wrdreg s5  }
0xab: {  	[dreg:$0x4] =	wrdreg $0xC0  }
0xac: {  	_ =	task [dreg:s8], $0x5FFFF  }
0xad: {  	[dreg:$0x1] =	wrdreg $0xFFFFFFFF  }
0xae: {  	[dreg:$0x0] =	wrdreg $0x60  }
0xaf: {  	[dreg:$0x2] =	wrdreg s2  }
0xb0: {  	[dreg:$0x3] =	wrdreg s19  }
0xb1: {  	[dreg:$0x4] =	wrdreg $0x9  }
0xb2: {  	_ =	task.clear_ibuf [dreg:s8], $0x5FFFF;
	_ =	strace $0x90000046  }
0xb3: {  	s29 =	simm.s32 $0x9;
	_ =	strace $0x80000048  }
0xb4: {  	_ =	swait.ge [sflag:s29], $0x1  }
0xb5: {  	[sflag:s29] =	ssyncadd.s32 $0xFFFFFFFF  }
0xb6: {  	_ =	strace $0x90000048  }
0xb7: {  	_ =	sfence  }
0xb8: {  	s30 =	sld [smem:$0x0];
	_ =	sdelay $0x2  }
0xb9: {  	s31 =	sshll.u32 s1, $0xD;
	s1 =	sshrl.u32 s1, $0x2  }
0xba: {  	s3 =	sand.u32 $0x4000, s31;
	s1 =	sadd.s32 s1, s30  }
0xbb: {  	s0 =	sor.u32 s3, s0;
	s1 =	sshll.u32 s1, $0x11  }
0xbc: {  	s0 =	sor.u32 s1, s0  }
0xbd: {  	s0 =	sadd.s32 $0x8F2B, s0  }
0xbe: {  	[sflag:s0] =	ssyncadd.remote.s32 $0x1  }
0xbf: {  	_ =	sfence.sel $0xFFFF  }
0xc0: {  	[dreg:$0x0] =	wrdreg $0xFFFFFFFF;
	(pc) =	sbr.abs _section_cstart, $3  }
0xc1: {  	[dreg:$0x1] =	wrdreg $0xFFFFFFFF  }
0xc2: {  	_ =	task.clear_ibuf [dreg:s8], $0x2FFFF;
	_ =	strace $0x9FFFFFFF  }
0xc3: {  	(tm) =	ssettm $0x7FFFFFFF  }
tec
execute0_lowered:
.L_overlay_start_1:
0x0: {  	(tag) =	ssettag $0x1  }
0x1: {  	s1 =	srdreg.scid;
	s0 =	stileid.u32  }
0x2: {  	s9 =	sand.u32 $0x1, s1;
	s31 =	sshll.u32 s0, $0x1  }
0x3: {  	s3 =	rddreg [dreg:$0x0];
	s17 =	sor.u32 s9, s31  }
0x4: {  	s18 =	rddreg [dreg:$0x1];
	s4 =	smul.u32 $0x5DC00, s17  }
0x5: {  	s2 =	simm.s32 $0x0;
	s22 =	simm.s32 $0x2;
	s23 =	simm.s32 $0xC800  }
0x6: {  	s24 =	simm.s32 $0x3;
	[smem:$0x7FF] =	sst s2;
	s4 =	sshrl.u32 s4, $0x3  }
0x7: {  	s1 =	rddreg [dreg:$0x2];
	_ =	strace $0x80000047;
	s19 =	sadd.s32 s3, s4  }
0x8: {  	s25 =	simm.s32 $0x0;
	s3 =	sadd.s32 $0x36B000, s19;
	s4 =	sadd.s32 $0x36BC80, s19  }
0x9: {  	s13 =	ssub.s32 $0x2, s9;
	s5 =	sadd.s32 $0x36C900, s19;
	s6 =	sadd.s32 $0x36D580, s19  }
0xa: {  	s14 =	sshrl.u32 s13, $0x1;
	s7 =	sadd.s32 $0x36E200, s19;
	s8 =	sadd.s32 $0x36EE80, s19  }
0xb: {  	s21 =	sshll.u32 s17, $0x7;
	s9 =	sadd.s32 $0x36FB00, s19;
	s10 =	sadd.s32 $0x370780, s19  }
0xc: {  	s20 =	ssub.s32 s13, s14;
	s11 =	sadd.s32 $0x371400, s19;
	s12 =	sadd.s32 $0x372080, s19  }
0xd: {  	s18 =	sadd.s32 s18, s21;
	s13 =	sadd.s32 $0x372D00, s19;
	s14 =	sadd.s32 $0x373980, s19  }
0xe: {  	s21 =	simm.s32 $0x1;
	s15 =	sadd.s32 $0x374600, s19;
	s16 =	sadd.s32 $0x375280, s19  }
0xf: {  	v0 =	vimm.f32 $0.0e+00;
	s17 =	sadd.s32 $0x375F00, s19;
	s19 =	smax.u32 s20, $0x1;
	s20 =	simm.s32 $0x6400  }
.LBB2_1:
0x10: {  	[tilespmem:s2], [sflag:$0x1] =	stream.linear.gather [hbm4b:s3+s2], $0x6400, $0x38;
	[tilespmem:$0xCC00] =	vst v63  }
0x11: {  	_ = 	snop  }
0x12: {  	[tilespmem:s20], [sflag:$0x2] =	stream.linear.gather [hbm4b:s4+s2], $0x6400, $0x38;
	[tilespmem:$0xCC00] =	vst v63  }
0x13: {  	_ =	swait.ge [sflag:s21], $0x6400  }
0x14: {  	[sflag:s21] =	ssyncset.done $0x0  }
0x15: {  	s29 =	simm.s32 $0x0;
	[sflag:s21] =	ssyncadd.s32 $0xFFFF9C00  }
0x16: {  	v1 =	vld [tilespmem:s29+$0x70]  }
0x17: {  	v3 =	vld [tilespmem:s29+$0x0]  }
0x18: {  	v4 =	vld [tilespmem:s29+$0x10]  }
0x19: {  	v7 =	vld [tilespmem:s29+$0x20]  }
0x1a: {  	v8 =	vld [tilespmem:s29+$0x30]  }
0x1b: {  	v5 =	vimm.f32 $0.0e+00;
	v10 =	vimm.f32 $0.0e+00;
	v6 =	vld [tilespmem:s29+$0x40]  }
0x1c: {  	v11 =	vimm.f32 $0.0e+00;
	v9 =	vimm.f32 $0.0e+00;
	v12 =	vld [tilespmem:s29+$0x50];
	v2 =	vadd.f32 v1, v0  }
0x1d: {  	s26 =	simm.s32 $0x80;
	s28 =	simm.s32 $0x400;
	v13 =	vld [tilespmem:s29+$0x60];
	v1 =	vadd.f32 v3, v0;
	v3 =	vadd.f32 v4, v0;
	v4 =	vimm.f32 $0.0e+00  }
.LBB2_2:
0x1e: {  	p0 =	sne.s32 s28, $0x18E00;
	v14 =	vld [tilespmem:s26+$0x70];
	v4 =	vadd.f32 v7, v4  }
0x1f: {  	v15 =	vld [tilespmem:s26+$0x0];
	v5 =	vadd.f32 v8, v5  }
0x20: {  	v16 =	vld [tilespmem:s26+$0x10];
	v10 =	vadd.f32 v6, v10  }
.Ltmp0:
0x21: {  	v7 =	vld [tilespmem:s26+$0x20];
	v11 =	vadd.f32 v12, v11;
	(pc) =	sbr.rel @p0 .LBB2_2-.Ltmp0, $4  }
0x22: {  	v8 =	vld [tilespmem:s26+$0x30];
	v9 =	vadd.f32 v13, v9  }
0x23: {  	v6 =	vld [tilespmem:s26+$0x40];
	v2 =	vadd.f32 v14, v2  }
0x24: {  	v1 =	vadd.f32 v15, v1;
	v12 =	vld [tilespmem:s26+$0x50]  }
0x25: {  	v3 =	vadd.f32 v16, v3;
	v13 =	vld [tilespmem:s26+$0x60];
	s26 =	sshra.s32 s28, $0x2;
	s28 =	sadd.s32 $0x200, s28  }
0x26: {  	v14 =	vld [tilespmem:s26+$0x70]  }
0x27: {  	v15 =	vld [tilespmem:s26+$0x0]  }
0x28: {  	v16 =	vld [tilespmem:s26+$0x10]  }
0x29: {  	v17 =	vld [tilespmem:s26+$0x20]  }
0x2a: {  	v18 =	vld [tilespmem:s26+$0x30]  }
0x2b: {  	v19 =	vld [tilespmem:s26+$0x40]  }
0x2c: {  	v20 =	vld [tilespmem:s26+$0x50];
	s31 =	simm.s32 $0x0  }
0x2d: {  	v21 =	vld [tilespmem:s26+$0x60];
	[tilespmem:s31], [sflag:$0x1] =	stream.linear.gather [hbm4b:s5+s31], $0x6400, $0x38  }
0x2e: {  	_ =	swait.ge [sflag:s22], $0x6400  }
0x2f: {  	[sflag:s22] =	ssyncset.done $0x0  }
0x30: {  	s29 =	simm.s32 $0x0;
	[sflag:s22] =	ssyncadd.s32 $0xFFFF9C00  }
0x31: {  	v4 =	vadd.f32 v7, v4;
	v5 =	vadd.f32 v8, v5;
	v7 =	vld [tilespmem:s29+$0x6470]  }
0x32: {  	v6 =	vadd.f32 v6, v10;
	v8 =	vadd.f32 v12, v11;
	v22 =	vld [tilespmem:s29+$0x6400]  }
0x33: {  	v12 =	vadd.f32 v13, v9;
	v13 =	vadd.f32 v14, v2;
	v14 =	vld [tilespmem:s29+$0x6410]  }
0x34: {  	v15 =	vadd.f32 v15, v1;
	v16 =	vadd.f32 v16, v3;
	v9 =	vld [tilespmem:s29+$0x6420]  }
0x35: {  	v1 =	vadd.f32 v17, v4;
	v2 =	vadd.f32 v18, v5;
	v10 =	vld [tilespmem:s29+$0x6430]  }
0x36: {  	v3 =	vadd.f32 v19, v6;
	v4 =	vadd.f32 v20, v8;
	v11 =	vld [tilespmem:s29+$0x6440]  }
0x37: {  	v5 =	vadd.f32 v21, v12;
	v12 =	vld [tilespmem:s29+$0x6450];
	v6 =	vadd.f32 v7, v13  }
0x38: {  	s26 =	simm.s32 $0x80;
	s28 =	simm.s32 $0x400;
	v7 =	vadd.f32 v22, v15;
	v8 =	vadd.f32 v14, v16;
	v13 =	vld [tilespmem:s29+$0x6460]  }
.LBB2_4:
0x39: {  	p0 =	sne.s32 s28, $0x18E00;
	v14 =	vld [tilespmem:s26+$0x6470];
	v1 =	vadd.f32 v9, v1  }
0x3a: {  	v15 =	vld [tilespmem:s26+$0x6400];
	v2 =	vadd.f32 v10, v2  }
0x3b: {  	v16 =	vld [tilespmem:s26+$0x6410];
	v3 =	vadd.f32 v11, v3  }
.Ltmp1:
0x3c: {  	v9 =	vld [tilespmem:s26+$0x6420];
	v4 =	vadd.f32 v12, v4;
	(pc) =	sbr.rel @p0 .LBB2_4-.Ltmp1, $4  }
0x3d: {  	v10 =	vld [tilespmem:s26+$0x6430];
	v5 =	vadd.f32 v13, v5  }
0x3e: {  	v11 =	vld [tilespmem:s26+$0x6440];
	v6 =	vadd.f32 v14, v6  }
0x3f: {  	v7 =	vadd.f32 v15, v7;
	v12 =	vld [tilespmem:s26+$0x6450]  }
0x40: {  	v8 =	vadd.f32 v16, v8;
	v13 =	vld [tilespmem:s26+$0x6460];
	s26 =	sshra.s32 s28, $0x2;
	s28 =	sadd.s32 $0x200, s28  }
0x41: {  	v14 =	vld [tilespmem:s26+$0x6470]  }
0x42: {  	v15 =	vld [tilespmem:s26+$0x6400]  }
0x43: {  	v16 =	vld [tilespmem:s26+$0x6410]  }
0x44: {  	v17 =	vld [tilespmem:s26+$0x6420]  }
0x45: {  	v18 =	vld [tilespmem:s26+$0x6430]  }
0x46: {  	v19 =	vld [tilespmem:s26+$0x6440]  }
0x47: {  	v20 =	vld [tilespmem:s26+$0x6450];
	s31 =	simm.s32 $0x0  }
0x48: {  	v21 =	vld [tilespmem:s26+$0x6460];
	[tilespmem:s20], [sflag:$0x2] =	stream.linear.gather [hbm4b:s6+s31], $0x6400, $0x38  }
0x49: {  	_ =	swait.ge [sflag:s21], $0x6400  }
0x4a: {  	[sflag:s21] =	ssyncset.done $0x0  }
0x4b: {  	s29 =	simm.s32 $0x0;
	[sflag:s21] =	ssyncadd.s32 $0xFFFF9C00  }
0x4c: {  	v1 =	vadd.f32 v9, v1;
	v2 =	vadd.f32 v10, v2;
	v22 =	vld [tilespmem:s29+$0x70]  }
0x4d: {  	v3 =	vadd.f32 v11, v3;
	v4 =	vadd.f32 v12, v4;
	v23 =	vld [tilespmem:s29+$0x0]  }
0x4e: {  	v5 =	vadd.f32 v13, v5;
	v6 =	vadd.f32 v14, v6;
	v13 =	vld [tilespmem:s29+$0x10]  }
0x4f: {  	v7 =	vadd.f32 v15, v7;
	v8 =	vadd.f32 v16, v8;
	v9 =	vld [tilespmem:s29+$0x20]  }
0x50: {  	v1 =	vadd.f32 v17, v1;
	v2 =	vadd.f32 v18, v2;
	v10 =	vld [tilespmem:s29+$0x30]  }
0x51: {  	v3 =	vadd.f32 v19, v3;
	v4 =	vadd.f32 v20, v4;
	v11 =	vld [tilespmem:s29+$0x40]  }
0x52: {  	v12 =	vld [tilespmem:s29+$0x50];
	v5 =	vadd.f32 v21, v5;
	v6 =	vadd.f32 v22, v6  }
0x53: {  	s26 =	simm.s32 $0x80;
	s28 =	simm.s32 $0x400;
	v7 =	vadd.f32 v23, v7;
	v8 =	vadd.f32 v13, v8;
	v13 =	vld [tilespmem:s29+$0x60]  }
.LBB2_6:
0x54: {  	p0 =	sne.s32 s28, $0x18E00;
	v14 =	vld [tilespmem:s26+$0x70];
	v1 =	vadd.f32 v9, v1  }
0x55: {  	v15 =	vld [tilespmem:s26+$0x0];
	v2 =	vadd.f32 v10, v2  }
0x56: {  	v16 =	vld [tilespmem:s26+$0x10];
	v3 =	vadd.f32 v11, v3  }
.Ltmp2:
0x57: {  	v9 =	vld [tilespmem:s26+$0x20];
	v4 =	vadd.f32 v12, v4;
	(pc) =	sbr.rel @p0 .LBB2_6-.Ltmp2, $4  }
0x58: {  	v10 =	vld [tilespmem:s26+$0x30];
	v5 =	vadd.f32 v13, v5  }
0x59: {  	v11 =	vld [tilespmem:s26+$0x40];
	v6 =	vadd.f32 v14, v6  }
0x5a: {  	v7 =	vadd.f32 v15, v7;
	v12 =	vld [tilespmem:s26+$0x50]  }
0x5b: {  	v8 =	vadd.f32 v16, v8;
	v13 =	vld [tilespmem:s26+$0x60];
	s26 =	sshra.s32 s28, $0x2;
	s28 =	sadd.s32 $0x200, s28  }
0x5c: {  	v14 =	vld [tilespmem:s26+$0x70]  }
0x5d: {  	v15 =	vld [tilespmem:s26+$0x0]  }
0x5e: {  	v16 =	vld [tilespmem:s26+$0x10]  }
0x5f: {  	v17 =	vld [tilespmem:s26+$0x20]  }
0x60: {  	v18 =	vld [tilespmem:s26+$0x30]  }
0x61: {  	v19 =	vld [tilespmem:s26+$0x40]  }
0x62: {  	v20 =	vld [tilespmem:s26+$0x50];
	s31 =	simm.s32 $0x0  }
0x63: {  	v21 =	vld [tilespmem:s26+$0x60];
	[tilespmem:s31], [sflag:$0x1] =	stream.linear.gather [hbm4b:s7+s31], $0x6400, $0x38  }
0x64: {  	_ =	swait.ge [sflag:s22], $0x6400  }
0x65: {  	[sflag:s22] =	ssyncset.done $0x0  }
0x66: {  	s29 =	simm.s32 $0x0;
	[sflag:s22] =	ssyncadd.s32 $0xFFFF9C00  }
0x67: {  	v1 =	vadd.f32 v9, v1;
	v2 =	vadd.f32 v10, v2;
	v22 =	vld [tilespmem:s29+$0x6470]  }
0x68: {  	v3 =	vadd.f32 v11, v3;
	v4 =	vadd.f32 v12, v4;
	v23 =	vld [tilespmem:s29+$0x6400]  }
0x69: {  	v5 =	vadd.f32 v13, v5;
	v6 =	vadd.f32 v14, v6;
	v13 =	vld [tilespmem:s29+$0x6410]  }
0x6a: {  	v7 =	vadd.f32 v15, v7;
	v8 =	vadd.f32 v16, v8;
	v9 =	vld [tilespmem:s29+$0x6420]  }
0x6b: {  	v1 =	vadd.f32 v17, v1;
	v2 =	vadd.f32 v18, v2;
	v10 =	vld [tilespmem:s29+$0x6430]  }
0x6c: {  	v3 =	vadd.f32 v19, v3;
	v4 =	vadd.f32 v20, v4;
	v11 =	vld [tilespmem:s29+$0x6440]  }
0x6d: {  	v12 =	vld [tilespmem:s29+$0x6450];
	v5 =	vadd.f32 v21, v5;
	v6 =	vadd.f32 v22, v6  }
0x6e: {  	s26 =	simm.s32 $0x80;
	s28 =	simm.s32 $0x400;
	v7 =	vadd.f32 v23, v7;
	v8 =	vadd.f32 v13, v8;
	v13 =	vld [tilespmem:s29+$0x6460]  }
.LBB2_8:
0x6f: {  	p0 =	sne.s32 s28, $0x18E00;
	v14 =	vld [tilespmem:s26+$0x6470];
	v1 =	vadd.f32 v9, v1  }
0x70: {  	v15 =	vld [tilespmem:s26+$0x6400];
	v2 =	vadd.f32 v10, v2  }
0x71: {  	v16 =	vld [tilespmem:s26+$0x6410];
	v3 =	vadd.f32 v11, v3  }
.Ltmp3:
0x72: {  	v9 =	vld [tilespmem:s26+$0x6420];
	v4 =	vadd.f32 v12, v4;
	(pc) =	sbr.rel @p0 .LBB2_8-.Ltmp3, $4  }
0x73: {  	v10 =	vld [tilespmem:s26+$0x6430];
	v5 =	vadd.f32 v13, v5  }
0x74: {  	v11 =	vld [tilespmem:s26+$0x6440];
	v6 =	vadd.f32 v14, v6  }
0x75: {  	v7 =	vadd.f32 v15, v7;
	v12 =	vld [tilespmem:s26+$0x6450]  }
0x76: {  	v8 =	vadd.f32 v16, v8;
	v13 =	vld [tilespmem:s26+$0x6460];
	s26 =	sshra.s32 s28, $0x2;
	s28 =	sadd.s32 $0x200, s28  }
0x77: {  	v14 =	vld [tilespmem:s26+$0x6470]  }
0x78: {  	v15 =	vld [tilespmem:s26+$0x6400]  }
0x79: {  	v16 =	vld [tilespmem:s26+$0x6410]  }
0x7a: {  	v17 =	vld [tilespmem:s26+$0x6420]  }
0x7b: {  	v18 =	vld [tilespmem:s26+$0x6430]  }
0x7c: {  	v19 =	vld [tilespmem:s26+$0x6440]  }
0x7d: {  	v20 =	vld [tilespmem:s26+$0x6450];
	s31 =	simm.s32 $0x0  }
0x7e: {  	v21 =	vld [tilespmem:s26+$0x6460];
	[tilespmem:s20], [sflag:$0x2] =	stream.linear.gather [hbm4b:s8+s31], $0x6400, $0x38  }
0x7f: {  	_ =	swait.ge [sflag:s21], $0x6400  }
0x80: {  	[sflag:s21] =	ssyncset.done $0x0  }
0x81: {  	s29 =	simm.s32 $0x0;
	[sflag:s21] =	ssyncadd.s32 $0xFFFF9C00  }
0x82: {  	v1 =	vadd.f32 v9, v1;
	v2 =	vadd.f32 v10, v2;
	v22 =	vld [tilespmem:s29+$0x70]  }
0x83: {  	v3 =	vadd.f32 v11, v3;
	v4 =	vadd.f32 v12, v4;
	v23 =	vld [tilespmem:s29+$0x0]  }
0x84: {  	v5 =	vadd.f32 v13, v5;
	v6 =	vadd.f32 v14, v6;
	v13 =	vld [tilespmem:s29+$0x10]  }
0x85: {  	v7 =	vadd.f32 v15, v7;
	v8 =	vadd.f32 v16, v8;
	v9 =	vld [tilespmem:s29+$0x20]  }
0x86: {  	v1 =	vadd.f32 v17, v1;
	v2 =	vadd.f32 v18, v2;
	v10 =	vld [tilespmem:s29+$0x30]  }
0x87: {  	v3 =	vadd.f32 v19, v3;
	v4 =	vadd.f32 v20, v4;
	v11 =	vld [tilespmem:s29+$0x40]  }
0x88: {  	v12 =	vld [tilespmem:s29+$0x50];
	v5 =	vadd.f32 v21, v5;
	v6 =	vadd.f32 v22, v6  }
0x89: {  	s26 =	simm.s32 $0x80;
	s28 =	simm.s32 $0x400;
	v7 =	vadd.f32 v23, v7;
	v8 =	vadd.f32 v13, v8;
	v13 =	vld [tilespmem:s29+$0x60]  }
.LBB2_10:
0x8a: {  	p0 =	sne.s32 s28, $0x18E00;
	v14 =	vld [tilespmem:s26+$0x70];
	v1 =	vadd.f32 v9, v1  }
0x8b: {  	v15 =	vld [tilespmem:s26+$0x0];
	v2 =	vadd.f32 v10, v2  }
0x8c: {  	v16 =	vld [tilespmem:s26+$0x10];
	v3 =	vadd.f32 v11, v3  }
.Ltmp4:
0x8d: {  	v9 =	vld [tilespmem:s26+$0x20];
	v4 =	vadd.f32 v12, v4;
	(pc) =	sbr.rel @p0 .LBB2_10-.Ltmp4, $4  }
0x8e: {  	v10 =	vld [tilespmem:s26+$0x30];
	v5 =	vadd.f32 v13, v5  }
0x8f: {  	v11 =	vld [tilespmem:s26+$0x40];
	v6 =	vadd.f32 v14, v6  }
0x90: {  	v7 =	vadd.f32 v15, v7;
	v12 =	vld [tilespmem:s26+$0x50]  }
0x91: {  	v8 =	vadd.f32 v16, v8;
	v13 =	vld [tilespmem:s26+$0x60];
	s26 =	sshra.s32 s28, $0x2;
	s28 =	sadd.s32 $0x200, s28  }
0x92: {  	v14 =	vld [tilespmem:s26+$0x70]  }
0x93: {  	v15 =	vld [tilespmem:s26+$0x0]  }
0x94: {  	v16 =	vld [tilespmem:s26+$0x10]  }
0x95: {  	v17 =	vld [tilespmem:s26+$0x20]  }
0x96: {  	v18 =	vld [tilespmem:s26+$0x30]  }
0x97: {  	v19 =	vld [tilespmem:s26+$0x40]  }
0x98: {  	v20 =	vld [tilespmem:s26+$0x50];
	s31 =	simm.s32 $0x0  }
0x99: {  	v21 =	vld [tilespmem:s26+$0x60];
	[tilespmem:s31], [sflag:$0x1] =	stream.linear.gather [hbm4b:s9+s31], $0x6400, $0x38  }
0x9a: {  	_ =	swait.ge [sflag:s22], $0x6400  }
0x9b: {  	[sflag:s22] =	ssyncset.done $0x0  }
0x9c: {  	s29 =	simm.s32 $0x0;
	[sflag:s22] =	ssyncadd.s32 $0xFFFF9C00  }
0x9d: {  	v1 =	vadd.f32 v9, v1;
	v2 =	vadd.f32 v10, v2;
	v22 =	vld [tilespmem:s29+$0x6470]  }
0x9e: {  	v3 =	vadd.f32 v11, v3;
	v4 =	vadd.f32 v12, v4;
	v23 =	vld [tilespmem:s29+$0x6400]  }
0x9f: {  	v5 =	vadd.f32 v13, v5;
	v6 =	vadd.f32 v14, v6;
	v13 =	vld [tilespmem:s29+$0x6410]  }
0xa0: {  	v7 =	vadd.f32 v15, v7;
	v8 =	vadd.f32 v16, v8;
	v9 =	vld [tilespmem:s29+$0x6420]  }
0xa1: {  	v1 =	vadd.f32 v17, v1;
	v2 =	vadd.f32 v18, v2;
	v10 =	vld [tilespmem:s29+$0x6430]  }
0xa2: {  	v3 =	vadd.f32 v19, v3;
	v4 =	vadd.f32 v20, v4;
	v11 =	vld [tilespmem:s29+$0x6440]  }
0xa3: {  	v12 =	vld [tilespmem:s29+$0x6450];
	v5 =	vadd.f32 v21, v5;
	v6 =	vadd.f32 v22, v6  }
0xa4: {  	s26 =	simm.s32 $0x80;
	s28 =	simm.s32 $0x400;
	v7 =	vadd.f32 v23, v7;
	v8 =	vadd.f32 v13, v8;
	v13 =	vld [tilespmem:s29+$0x6460]  }
.LBB2_12:
0xa5: {  	p0 =	sne.s32 s28, $0x18E00;
	v14 =	vld [tilespmem:s26+$0x6470];
	v1 =	vadd.f32 v9, v1  }
0xa6: {  	v15 =	vld [tilespmem:s26+$0x6400];
	v2 =	vadd.f32 v10, v2  }
0xa7: {  	v16 =	vld [tilespmem:s26+$0x6410];
	v3 =	vadd.f32 v11, v3  }
.Ltmp5:
0xa8: {  	v9 =	vld [tilespmem:s26+$0x6420];
	v4 =	vadd.f32 v12, v4;
	(pc) =	sbr.rel @p0 .LBB2_12-.Ltmp5, $4  }
0xa9: {  	v10 =	vld [tilespmem:s26+$0x6430];
	v5 =	vadd.f32 v13, v5  }
0xaa: {  	v11 =	vld [tilespmem:s26+$0x6440];
	v6 =	vadd.f32 v14, v6  }
0xab: {  	v7 =	vadd.f32 v15, v7;
	v12 =	vld [tilespmem:s26+$0x6450]  }
0xac: {  	v8 =	vadd.f32 v16, v8;
	v13 =	vld [tilespmem:s26+$0x6460];
	s26 =	sshra.s32 s28, $0x2;
	s28 =	sadd.s32 $0x200, s28  }
0xad: {  	v14 =	vld [tilespmem:s26+$0x6470]  }
0xae: {  	v15 =	vld [tilespmem:s26+$0x6400]  }
0xaf: {  	v16 =	vld [tilespmem:s26+$0x6410]  }
0xb0: {  	v17 =	vld [tilespmem:s26+$0x6420]  }
0xb1: {  	v18 =	vld [tilespmem:s26+$0x6430]  }
0xb2: {  	v19 =	vld [tilespmem:s26+$0x6440]  }
0xb3: {  	v20 =	vld [tilespmem:s26+$0x6450];
	s31 =	simm.s32 $0x0  }
0xb4: {  	v21 =	vld [tilespmem:s26+$0x6460];
	[tilespmem:s20], [sflag:$0x2] =	stream.linear.gather [hbm4b:s10+s31], $0x6400, $0x38  }
0xb5: {  	_ =	swait.ge [sflag:s21], $0x6400  }
0xb6: {  	[sflag:s21] =	ssyncset.done $0x0  }
0xb7: {  	s29 =	simm.s32 $0x0;
	[sflag:s21] =	ssyncadd.s32 $0xFFFF9C00  }
0xb8: {  	v1 =	vadd.f32 v9, v1;
	v2 =	vadd.f32 v10, v2;
	v22 =	vld [tilespmem:s29+$0x70]  }
0xb9: {  	v3 =	vadd.f32 v11, v3;
	v4 =	vadd.f32 v12, v4;
	v23 =	vld [tilespmem:s29+$0x0]  }
0xba: {  	v5 =	vadd.f32 v13, v5;
	v6 =	vadd.f32 v14, v6;
	v13 =	vld [tilespmem:s29+$0x10]  }
0xbb: {  	v7 =	vadd.f32 v15, v7;
	v8 =	vadd.f32 v16, v8;
	v9 =	vld [tilespmem:s29+$0x20]  }
0xbc: {  	v1 =	vadd.f32 v17, v1;
	v2 =	vadd.f32 v18, v2;
	v10 =	vld [tilespmem:s29+$0x30]  }
0xbd: {  	v3 =	vadd.f32 v19, v3;
	v4 =	vadd.f32 v20, v4;
	v11 =	vld [tilespmem:s29+$0x40]  }
0xbe: {  	v12 =	vld [tilespmem:s29+$0x50];
	v5 =	vadd.f32 v21, v5;
	v6 =	vadd.f32 v22, v6  }
0xbf: {  	s26 =	simm.s32 $0x80;
	s28 =	simm.s32 $0x400;
	v7 =	vadd.f32 v23, v7;
	v8 =	vadd.f32 v13, v8;
	v13 =	vld [tilespmem:s29+$0x60]  }
.LBB2_14:
0xc0: {  	p0 =	sne.s32 s28, $0x18E00;
	v14 =	vld [tilespmem:s26+$0x70];
	v1 =	vadd.f32 v9, v1  }
0xc1: {  	v15 =	vld [tilespmem:s26+$0x0];
	v2 =	vadd.f32 v10, v2  }
0xc2: {  	v16 =	vld [tilespmem:s26+$0x10];
	v3 =	vadd.f32 v11, v3  }
.Ltmp6:
0xc3: {  	v9 =	vld [tilespmem:s26+$0x20];
	v4 =	vadd.f32 v12, v4;
	(pc) =	sbr.rel @p0 .LBB2_14-.Ltmp6, $4  }
0xc4: {  	v10 =	vld [tilespmem:s26+$0x30];
	v5 =	vadd.f32 v13, v5  }
0xc5: {  	v11 =	vld [tilespmem:s26+$0x40];
	v6 =	vadd.f32 v14, v6  }
0xc6: {  	v7 =	vadd.f32 v15, v7;
	v12 =	vld [tilespmem:s26+$0x50]  }
0xc7: {  	v8 =	vadd.f32 v16, v8;
	v13 =	vld [tilespmem:s26+$0x60];
	s26 =	sshra.s32 s28, $0x2;
	s28 =	sadd.s32 $0x200, s28  }
0xc8: {  	v14 =	vld [tilespmem:s26+$0x70]  }
0xc9: {  	v15 =	vld [tilespmem:s26+$0x0]  }
0xca: {  	v16 =	vld [tilespmem:s26+$0x10]  }
0xcb: {  	v17 =	vld [tilespmem:s26+$0x20]  }
0xcc: {  	v18 =	vld [tilespmem:s26+$0x30]  }
0xcd: {  	v19 =	vld [tilespmem:s26+$0x40]  }
0xce: {  	v20 =	vld [tilespmem:s26+$0x50];
	s31 =	simm.s32 $0x0  }
0xcf: {  	v21 =	vld [tilespmem:s26+$0x60];
	[tilespmem:s31], [sflag:$0x1] =	stream.linear.gather [hbm4b:s11+s31], $0x6400, $0x38  }
0xd0: {  	_ =	swait.ge [sflag:s22], $0x6400  }
0xd1: {  	[sflag:s22] =	ssyncset.done $0x0  }
0xd2: {  	s29 =	simm.s32 $0x0;
	[sflag:s22] =	ssyncadd.s32 $0xFFFF9C00  }
0xd3: {  	v1 =	vadd.f32 v9, v1;
	v2 =	vadd.f32 v10, v2;
	v22 =	vld [tilespmem:s29+$0x6470]  }
0xd4: {  	v3 =	vadd.f32 v11, v3;
	v4 =	vadd.f32 v12, v4;
	v23 =	vld [tilespmem:s29+$0x6400]  }
0xd5: {  	v5 =	vadd.f32 v13, v5;
	v6 =	vadd.f32 v14, v6;
	v13 =	vld [tilespmem:s29+$0x6410]  }
0xd6: {  	v7 =	vadd.f32 v15, v7;
	v8 =	vadd.f32 v16, v8;
	v9 =	vld [tilespmem:s29+$0x6420]  }
0xd7: {  	v1 =	vadd.f32 v17, v1;
	v2 =	vadd.f32 v18, v2;
	v10 =	vld [tilespmem:s29+$0x6430]  }
0xd8: {  	v3 =	vadd.f32 v19, v3;
	v4 =	vadd.f32 v20, v4;
	v11 =	vld [tilespmem:s29+$0x6440]  }
0xd9: {  	v12 =	vld [tilespmem:s29+$0x6450];
	v5 =	vadd.f32 v21, v5;
	v6 =	vadd.f32 v22, v6  }
0xda: {  	s26 =	simm.s32 $0x80;
	s28 =	simm.s32 $0x400;
	v7 =	vadd.f32 v23, v7;
	v8 =	vadd.f32 v13, v8;
	v13 =	vld [tilespmem:s29+$0x6460]  }
.LBB2_16:
0xdb: {  	p0 =	sne.s32 s28, $0x18E00;
	v14 =	vld [tilespmem:s26+$0x6470];
	v1 =	vadd.f32 v9, v1  }
0xdc: {  	v15 =	vld [tilespmem:s26+$0x6400];
	v2 =	vadd.f32 v10, v2  }
0xdd: {  	v16 =	vld [tilespmem:s26+$0x6410];
	v3 =	vadd.f32 v11, v3  }
.Ltmp7:
0xde: {  	v9 =	vld [tilespmem:s26+$0x6420];
	v4 =	vadd.f32 v12, v4;
	(pc) =	sbr.rel @p0 .LBB2_16-.Ltmp7, $4  }
0xdf: {  	v10 =	vld [tilespmem:s26+$0x6430];
	v5 =	vadd.f32 v13, v5  }
0xe0: {  	v11 =	vld [tilespmem:s26+$0x6440];
	v6 =	vadd.f32 v14, v6  }
0xe1: {  	v7 =	vadd.f32 v15, v7;
	v12 =	vld [tilespmem:s26+$0x6450]  }
0xe2: {  	v8 =	vadd.f32 v16, v8;
	v13 =	vld [tilespmem:s26+$0x6460];
	s26 =	sshra.s32 s28, $0x2;
	s28 =	sadd.s32 $0x200, s28  }
0xe3: {  	v14 =	vld [tilespmem:s26+$0x6470]  }
0xe4: {  	v15 =	vld [tilespmem:s26+$0x6400]  }
0xe5: {  	v16 =	vld [tilespmem:s26+$0x6410]  }
0xe6: {  	v17 =	vld [tilespmem:s26+$0x6420]  }
0xe7: {  	v18 =	vld [tilespmem:s26+$0x6430]  }
0xe8: {  	v19 =	vld [tilespmem:s26+$0x6440]  }
0xe9: {  	v20 =	vld [tilespmem:s26+$0x6450];
	s31 =	simm.s32 $0x0  }
0xea: {  	v21 =	vld [tilespmem:s26+$0x6460];
	[tilespmem:s20], [sflag:$0x2] =	stream.linear.gather [hbm4b:s12+s31], $0x6400, $0x38  }
0xeb: {  	_ =	swait.ge [sflag:s21], $0x6400  }
0xec: {  	[sflag:s21] =	ssyncset.done $0x0  }
0xed: {  	s29 =	simm.s32 $0x0;
	[sflag:s21] =	ssyncadd.s32 $0xFFFF9C00  }
0xee: {  	v1 =	vadd.f32 v9, v1;
	v2 =	vadd.f32 v10, v2;
	v22 =	vld [tilespmem:s29+$0x70]  }
0xef: {  	v3 =	vadd.f32 v11, v3;
	v4 =	vadd.f32 v12, v4;
	v23 =	vld [tilespmem:s29+$0x0]  }
0xf0: {  	v5 =	vadd.f32 v13, v5;
	v6 =	vadd.f32 v14, v6;
	v13 =	vld [tilespmem:s29+$0x10]  }
0xf1: {  	v7 =	vadd.f32 v15, v7;
	v8 =	vadd.f32 v16, v8;
	v9 =	vld [tilespmem:s29+$0x20]  }
0xf2: {  	v1 =	vadd.f32 v17, v1;
	v2 =	vadd.f32 v18, v2;
	v10 =	vld [tilespmem:s29+$0x30]  }
0xf3: {  	v3 =	vadd.f32 v19, v3;
	v4 =	vadd.f32 v20, v4;
	v11 =	vld [tilespmem:s29+$0x40]  }
0xf4: {  	v12 =	vld [tilespmem:s29+$0x50];
	v5 =	vadd.f32 v21, v5;
	v6 =	vadd.f32 v22, v6  }
0xf5: {  	s26 =	simm.s32 $0x80;
	s28 =	simm.s32 $0x400;
	v7 =	vadd.f32 v23, v7;
	v8 =	vadd.f32 v13, v8;
	v13 =	vld [tilespmem:s29+$0x60]  }
.LBB2_18:
0xf6: {  	p0 =	sne.s32 s28, $0x18E00;
	v14 =	vld [tilespmem:s26+$0x70];
	v1 =	vadd.f32 v9, v1  }
0xf7: {  	v15 =	vld [tilespmem:s26+$0x0];
	v2 =	vadd.f32 v10, v2  }
0xf8: {  	v16 =	vld [tilespmem:s26+$0x10];
	v3 =	vadd.f32 v11, v3  }
.Ltmp8:
0xf9: {  	v9 =	vld [tilespmem:s26+$0x20];
	v4 =	vadd.f32 v12, v4;
	(pc) =	sbr.rel @p0 .LBB2_18-.Ltmp8, $4  }
0xfa: {  	v10 =	vld [tilespmem:s26+$0x30];
	v5 =	vadd.f32 v13, v5  }
0xfb: {  	v11 =	vld [tilespmem:s26+$0x40];
	v6 =	vadd.f32 v14, v6  }
0xfc: {  	v7 =	vadd.f32 v15, v7;
	v12 =	vld [tilespmem:s26+$0x50]  }
0xfd: {  	v8 =	vadd.f32 v16, v8;
	v13 =	vld [tilespmem:s26+$0x60];
	s26 =	sshra.s32 s28, $0x2;
	s28 =	sadd.s32 $0x200, s28  }
0xfe: {  	v14 =	vld [tilespmem:s26+$0x70]  }
0xff: {  	v15 =	vld [tilespmem:s26+$0x0]  }
0x100: {  	v16 =	vld [tilespmem:s26+$0x10]  }
0x101: {  	v17 =	vld [tilespmem:s26+$0x20]  }
0x102: {  	v18 =	vld [tilespmem:s26+$0x30]  }
0x103: {  	v19 =	vld [tilespmem:s26+$0x40]  }
0x104: {  	v20 =	vld [tilespmem:s26+$0x50];
	s31 =	simm.s32 $0x0  }
0x105: {  	v21 =	vld [tilespmem:s26+$0x60];
	[tilespmem:s31], [sflag:$0x1] =	stream.linear.gather [hbm4b:s13+s31], $0x6400, $0x38  }
0x106: {  	_ =	swait.ge [sflag:s22], $0x6400  }
0x107: {  	[sflag:s22] =	ssyncset.done $0x0  }
0x108: {  	s29 =	simm.s32 $0x0;
	[sflag:s22] =	ssyncadd.s32 $0xFFFF9C00  }
0x109: {  	v1 =	vadd.f32 v9, v1;
	v2 =	vadd.f32 v10, v2;
	v22 =	vld [tilespmem:s29+$0x6470]  }
0x10a: {  	v3 =	vadd.f32 v11, v3;
	v4 =	vadd.f32 v12, v4;
	v23 =	vld [tilespmem:s29+$0x6400]  }
0x10b: {  	v5 =	vadd.f32 v13, v5;
	v6 =	vadd.f32 v14, v6;
	v13 =	vld [tilespmem:s29+$0x6410]  }
0x10c: {  	v7 =	vadd.f32 v15, v7;
	v8 =	vadd.f32 v16, v8;
	v9 =	vld [tilespmem:s29+$0x6420]  }
0x10d: {  	v1 =	vadd.f32 v17, v1;
	v2 =	vadd.f32 v18, v2;
	v10 =	vld [tilespmem:s29+$0x6430]  }
0x10e: {  	v3 =	vadd.f32 v19, v3;
	v4 =	vadd.f32 v20, v4;
	v11 =	vld [tilespmem:s29+$0x6440]  }
0x10f: {  	v12 =	vld [tilespmem:s29+$0x6450];
	v5 =	vadd.f32 v21, v5;
	v6 =	vadd.f32 v22, v6  }
0x110: {  	s26 =	simm.s32 $0x80;
	s28 =	simm.s32 $0x400;
	v7 =	vadd.f32 v23, v7;
	v8 =	vadd.f32 v13, v8;
	v13 =	vld [tilespmem:s29+$0x6460]  }
.LBB2_20:
0x111: {  	p0 =	sne.s32 s28, $0x18E00;
	v14 =	vld [tilespmem:s26+$0x6470];
	v1 =	vadd.f32 v9, v1  }
0x112: {  	v15 =	vld [tilespmem:s26+$0x6400];
	v2 =	vadd.f32 v10, v2  }
0x113: {  	v16 =	vld [tilespmem:s26+$0x6410];
	v3 =	vadd.f32 v11, v3  }
.Ltmp9:
0x114: {  	v9 =	vld [tilespmem:s26+$0x6420];
	v4 =	vadd.f32 v12, v4;
	(pc) =	sbr.rel @p0 .LBB2_20-.Ltmp9, $4  }
0x115: {  	v10 =	vld [tilespmem:s26+$0x6430];
	v5 =	vadd.f32 v13, v5  }
0x116: {  	v11 =	vld [tilespmem:s26+$0x6440];
	v6 =	vadd.f32 v14, v6  }
0x117: {  	v7 =	vadd.f32 v15, v7;
	v12 =	vld [tilespmem:s26+$0x6450]  }
0x118: {  	v8 =	vadd.f32 v16, v8;
	v13 =	vld [tilespmem:s26+$0x6460];
	s26 =	sshra.s32 s28, $0x2;
	s28 =	sadd.s32 $0x200, s28  }
0x119: {  	v14 =	vld [tilespmem:s26+$0x6470]  }
0x11a: {  	v15 =	vld [tilespmem:s26+$0x6400]  }
0x11b: {  	v16 =	vld [tilespmem:s26+$0x6410]  }
0x11c: {  	v17 =	vld [tilespmem:s26+$0x6420]  }
0x11d: {  	v18 =	vld [tilespmem:s26+$0x6430]  }
0x11e: {  	v19 =	vld [tilespmem:s26+$0x6440]  }
0x11f: {  	v20 =	vld [tilespmem:s26+$0x6450];
	s31 =	simm.s32 $0x0  }
0x120: {  	v21 =	vld [tilespmem:s26+$0x6460];
	[tilespmem:s20], [sflag:$0x2] =	stream.linear.gather [hbm4b:s14+s31], $0x6400, $0x38  }
0x121: {  	_ =	swait.ge [sflag:s21], $0x6400  }
0x122: {  	[sflag:s21] =	ssyncset.done $0x0  }
0x123: {  	s29 =	simm.s32 $0x0;
	[sflag:s21] =	ssyncadd.s32 $0xFFFF9C00  }
0x124: {  	v1 =	vadd.f32 v9, v1;
	v2 =	vadd.f32 v10, v2;
	v22 =	vld [tilespmem:s29+$0x70]  }
0x125: {  	v3 =	vadd.f32 v11, v3;
	v4 =	vadd.f32 v12, v4;
	v23 =	vld [tilespmem:s29+$0x0]  }
0x126: {  	v5 =	vadd.f32 v13, v5;
	v6 =	vadd.f32 v14, v6;
	v13 =	vld [tilespmem:s29+$0x10]  }
0x127: {  	v7 =	vadd.f32 v15, v7;
	v8 =	vadd.f32 v16, v8;
	v9 =	vld [tilespmem:s29+$0x20]  }
0x128: {  	v1 =	vadd.f32 v17, v1;
	v2 =	vadd.f32 v18, v2;
	v10 =	vld [tilespmem:s29+$0x30]  }
0x129: {  	v3 =	vadd.f32 v19, v3;
	v4 =	vadd.f32 v20, v4;
	v11 =	vld [tilespmem:s29+$0x40]  }
0x12a: {  	v12 =	vld [tilespmem:s29+$0x50];
	v5 =	vadd.f32 v21, v5;
	v6 =	vadd.f32 v22, v6  }
0x12b: {  	s26 =	simm.s32 $0x80;
	s28 =	simm.s32 $0x400;
	v7 =	vadd.f32 v23, v7;
	v8 =	vadd.f32 v13, v8;
	v13 =	vld [tilespmem:s29+$0x60]  }
.LBB2_22:
0x12c: {  	p0 =	sne.s32 s28, $0x18E00;
	v14 =	vld [tilespmem:s26+$0x70];
	v1 =	vadd.f32 v9, v1  }
0x12d: {  	v15 =	vld [tilespmem:s26+$0x0];
	v2 =	vadd.f32 v10, v2  }
0x12e: {  	v16 =	vld [tilespmem:s26+$0x10];
	v3 =	vadd.f32 v11, v3  }
.Ltmp10:
0x12f: {  	v9 =	vld [tilespmem:s26+$0x20];
	v4 =	vadd.f32 v12, v4;
	(pc) =	sbr.rel @p0 .LBB2_22-.Ltmp10, $4  }
0x130: {  	v10 =	vld [tilespmem:s26+$0x30];
	v5 =	vadd.f32 v13, v5  }
0x131: {  	v11 =	vld [tilespmem:s26+$0x40];
	v6 =	vadd.f32 v14, v6  }
0x132: {  	v7 =	vadd.f32 v15, v7;
	v12 =	vld [tilespmem:s26+$0x50]  }
0x133: {  	v8 =	vadd.f32 v16, v8;
	v13 =	vld [tilespmem:s26+$0x60];
	s26 =	sshra.s32 s28, $0x2;
	s28 =	sadd.s32 $0x200, s28  }
0x134: {  	v14 =	vld [tilespmem:s26+$0x70]  }
0x135: {  	v15 =	vld [tilespmem:s26+$0x0]  }
0x136: {  	v16 =	vld [tilespmem:s26+$0x10]  }
0x137: {  	v17 =	vld [tilespmem:s26+$0x20]  }
0x138: {  	v18 =	vld [tilespmem:s26+$0x30]  }
0x139: {  	v19 =	vld [tilespmem:s26+$0x40]  }
0x13a: {  	v20 =	vld [tilespmem:s26+$0x50];
	s31 =	simm.s32 $0x0  }
0x13b: {  	v21 =	vld [tilespmem:s26+$0x60];
	[tilespmem:s31], [sflag:$0x1] =	stream.linear.gather [hbm4b:s15+s31], $0x6400, $0x38  }
0x13c: {  	_ =	swait.ge [sflag:s22], $0x6400  }
0x13d: {  	[sflag:s22] =	ssyncset.done $0x0  }
0x13e: {  	s29 =	simm.s32 $0x0;
	[sflag:s22] =	ssyncadd.s32 $0xFFFF9C00  }
0x13f: {  	v1 =	vadd.f32 v9, v1;
	v2 =	vadd.f32 v10, v2;
	v22 =	vld [tilespmem:s29+$0x6470]  }
0x140: {  	v3 =	vadd.f32 v11, v3;
	v4 =	vadd.f32 v12, v4;
	v23 =	vld [tilespmem:s29+$0x6400]  }
0x141: {  	v5 =	vadd.f32 v13, v5;
	v6 =	vadd.f32 v14, v6;
	v13 =	vld [tilespmem:s29+$0x6410]  }
0x142: {  	v7 =	vadd.f32 v15, v7;
	v8 =	vadd.f32 v16, v8;
	v9 =	vld [tilespmem:s29+$0x6420]  }
0x143: {  	v1 =	vadd.f32 v17, v1;
	v2 =	vadd.f32 v18, v2;
	v10 =	vld [tilespmem:s29+$0x6430]  }
0x144: {  	v3 =	vadd.f32 v19, v3;
	v4 =	vadd.f32 v20, v4;
	v11 =	vld [tilespmem:s29+$0x6440]  }
0x145: {  	v12 =	vld [tilespmem:s29+$0x6450];
	v5 =	vadd.f32 v21, v5;
	v6 =	vadd.f32 v22, v6  }
0x146: {  	s26 =	simm.s32 $0x80;
	s28 =	simm.s32 $0x400;
	v7 =	vadd.f32 v23, v7;
	v8 =	vadd.f32 v13, v8;
	v13 =	vld [tilespmem:s29+$0x6460]  }
.LBB2_24:
0x147: {  	p0 =	sne.s32 s28, $0x18E00;
	v14 =	vld [tilespmem:s26+$0x6470];
	v1 =	vadd.f32 v9, v1  }
0x148: {  	v15 =	vld [tilespmem:s26+$0x6400];
	v2 =	vadd.f32 v10, v2  }
0x149: {  	v16 =	vld [tilespmem:s26+$0x6410];
	v3 =	vadd.f32 v11, v3  }
.Ltmp11:
0x14a: {  	v9 =	vld [tilespmem:s26+$0x6420];
	v4 =	vadd.f32 v12, v4;
	(pc) =	sbr.rel @p0 .LBB2_24-.Ltmp11, $4  }
0x14b: {  	v10 =	vld [tilespmem:s26+$0x6430];
	v5 =	vadd.f32 v13, v5  }
0x14c: {  	v11 =	vld [tilespmem:s26+$0x6440];
	v6 =	vadd.f32 v14, v6  }
0x14d: {  	v7 =	vadd.f32 v15, v7;
	v12 =	vld [tilespmem:s26+$0x6450]  }
0x14e: {  	v8 =	vadd.f32 v16, v8;
	v13 =	vld [tilespmem:s26+$0x6460];
	s26 =	sshra.s32 s28, $0x2;
	s28 =	sadd.s32 $0x200, s28  }
0x14f: {  	v14 =	vld [tilespmem:s26+$0x6470]  }
0x150: {  	v15 =	vld [tilespmem:s26+$0x6400]  }
0x151: {  	v16 =	vld [tilespmem:s26+$0x6410]  }
0x152: {  	v17 =	vld [tilespmem:s26+$0x6420]  }
0x153: {  	v18 =	vld [tilespmem:s26+$0x6430]  }
0x154: {  	v19 =	vld [tilespmem:s26+$0x6440]  }
0x155: {  	v20 =	vld [tilespmem:s26+$0x6450];
	s31 =	simm.s32 $0x0  }
0x156: {  	v21 =	vld [tilespmem:s26+$0x6460];
	[tilespmem:s20], [sflag:$0x2] =	stream.linear.gather [hbm4b:s16+s31], $0x6400, $0x38  }
0x157: {  	_ =	swait.ge [sflag:s21], $0x6400  }
0x158: {  	[sflag:s21] =	ssyncset.done $0x0  }
0x159: {  	s29 =	simm.s32 $0x0;
	[sflag:s21] =	ssyncadd.s32 $0xFFFF9C00  }
0x15a: {  	v1 =	vadd.f32 v9, v1;
	v2 =	vadd.f32 v10, v2;
	v22 =	vld [tilespmem:s29+$0x70]  }
0x15b: {  	v3 =	vadd.f32 v11, v3;
	v4 =	vadd.f32 v12, v4;
	v23 =	vld [tilespmem:s29+$0x0]  }
0x15c: {  	v5 =	vadd.f32 v13, v5;
	v6 =	vadd.f32 v14, v6;
	v13 =	vld [tilespmem:s29+$0x10]  }
0x15d: {  	v7 =	vadd.f32 v15, v7;
	v8 =	vadd.f32 v16, v8;
	v9 =	vld [tilespmem:s29+$0x20]  }
0x15e: {  	v1 =	vadd.f32 v17, v1;
	v2 =	vadd.f32 v18, v2;
	v10 =	vld [tilespmem:s29+$0x30]  }
0x15f: {  	v3 =	vadd.f32 v19, v3;
	v4 =	vadd.f32 v20, v4;
	v11 =	vld [tilespmem:s29+$0x40]  }
0x160: {  	v12 =	vld [tilespmem:s29+$0x50];
	v5 =	vadd.f32 v21, v5;
	v6 =	vadd.f32 v22, v6  }
0x161: {  	s26 =	simm.s32 $0x80;
	s28 =	simm.s32 $0x400;
	v7 =	vadd.f32 v23, v7;
	v8 =	vadd.f32 v13, v8;
	v13 =	vld [tilespmem:s29+$0x60]  }
.LBB2_26:
0x162: {  	p0 =	sne.s32 s28, $0x18E00;
	v14 =	vld [tilespmem:s26+$0x70];
	v1 =	vadd.f32 v9, v1  }
0x163: {  	v15 =	vld [tilespmem:s26+$0x0];
	v2 =	vadd.f32 v10, v2  }
0x164: {  	v16 =	vld [tilespmem:s26+$0x10];
	v3 =	vadd.f32 v11, v3  }
.Ltmp12:
0x165: {  	v9 =	vld [tilespmem:s26+$0x20];
	v4 =	vadd.f32 v12, v4;
	(pc) =	sbr.rel @p0 .LBB2_26-.Ltmp12, $4  }
0x166: {  	v10 =	vld [tilespmem:s26+$0x30];
	v5 =	vadd.f32 v13, v5  }
0x167: {  	v11 =	vld [tilespmem:s26+$0x40];
	v6 =	vadd.f32 v14, v6  }
0x168: {  	v7 =	vadd.f32 v15, v7;
	v12 =	vld [tilespmem:s26+$0x50]  }
0x169: {  	v8 =	vadd.f32 v16, v8;
	v13 =	vld [tilespmem:s26+$0x60];
	s26 =	sshra.s32 s28, $0x2;
	s28 =	sadd.s32 $0x200, s28  }
0x16a: {  	v14 =	vld [tilespmem:s26+$0x70]  }
0x16b: {  	v15 =	vld [tilespmem:s26+$0x0]  }
0x16c: {  	v16 =	vld [tilespmem:s26+$0x10]  }
0x16d: {  	v17 =	vld [tilespmem:s26+$0x20]  }
0x16e: {  	v18 =	vld [tilespmem:s26+$0x30]  }
0x16f: {  	v19 =	vld [tilespmem:s26+$0x40]  }
0x170: {  	v20 =	vld [tilespmem:s26+$0x50];
	s31 =	simm.s32 $0x0  }
0x171: {  	v21 =	vld [tilespmem:s26+$0x60];
	[tilespmem:s31], [sflag:$0x1] =	stream.linear.gather [hbm4b:s17+s31], $0x6400, $0x38  }
0x172: {  	_ =	swait.ge [sflag:s22], $0x6400  }
0x173: {  	[sflag:s22] =	ssyncset.done $0x0  }
0x174: {  	s29 =	simm.s32 $0x0;
	[sflag:s22] =	ssyncadd.s32 $0xFFFF9C00  }
0x175: {  	v1 =	vadd.f32 v9, v1;
	v2 =	vadd.f32 v10, v2;
	v22 =	vld [tilespmem:s29+$0x6470]  }
0x176: {  	v3 =	vadd.f32 v11, v3;
	v4 =	vadd.f32 v12, v4;
	v23 =	vld [tilespmem:s29+$0x6400]  }
0x177: {  	v5 =	vadd.f32 v13, v5;
	v6 =	vadd.f32 v14, v6;
	v13 =	vld [tilespmem:s29+$0x6410]  }
0x178: {  	v7 =	vadd.f32 v15, v7;
	v8 =	vadd.f32 v16, v8;
	v9 =	vld [tilespmem:s29+$0x6420]  }
0x179: {  	v1 =	vadd.f32 v17, v1;
	v2 =	vadd.f32 v18, v2;
	v10 =	vld [tilespmem:s29+$0x6430]  }
0x17a: {  	v3 =	vadd.f32 v19, v3;
	v4 =	vadd.f32 v20, v4;
	v11 =	vld [tilespmem:s29+$0x6440]  }
0x17b: {  	v12 =	vld [tilespmem:s29+$0x6450];
	v5 =	vadd.f32 v21, v5;
	v6 =	vadd.f32 v22, v6  }
0x17c: {  	s26 =	simm.s32 $0x80;
	s28 =	simm.s32 $0x400;
	v7 =	vadd.f32 v23, v7;
	v8 =	vadd.f32 v13, v8;
	v13 =	vld [tilespmem:s29+$0x6460]  }
.LBB2_28:
0x17d: {  	p0 =	sne.s32 s28, $0x18E00;
	v14 =	vld [tilespmem:s26+$0x6470];
	v1 =	vadd.f32 v9, v1  }
0x17e: {  	v15 =	vld [tilespmem:s26+$0x6400];
	v2 =	vadd.f32 v10, v2  }
0x17f: {  	v16 =	vld [tilespmem:s26+$0x6410];
	v3 =	vadd.f32 v11, v3  }
.Ltmp13:
0x180: {  	v9 =	vld [tilespmem:s26+$0x6420];
	v4 =	vadd.f32 v12, v4;
	(pc) =	sbr.rel @p0 .LBB2_28-.Ltmp13, $4  }
0x181: {  	v10 =	vld [tilespmem:s26+$0x6430];
	v5 =	vadd.f32 v13, v5  }
0x182: {  	v11 =	vld [tilespmem:s26+$0x6440];
	v6 =	vadd.f32 v14, v6  }
0x183: {  	v7 =	vadd.f32 v15, v7;
	v12 =	vld [tilespmem:s26+$0x6450]  }
0x184: {  	v8 =	vadd.f32 v16, v8;
	v13 =	vld [tilespmem:s26+$0x6460];
	s26 =	sshra.s32 s28, $0x2;
	s28 =	sadd.s32 $0x200, s28  }
0x185: {  	v14 =	vld [tilespmem:s26+$0x6470]  }
0x186: {  	v15 =	vld [tilespmem:s26+$0x6400]  }
0x187: {  	v16 =	vld [tilespmem:s26+$0x6410]  }
0x188: {  	v17 =	vld [tilespmem:s26+$0x6420]  }
0x189: {  	v18 =	vld [tilespmem:s26+$0x6430]  }
0x18a: {  	v19 =	vld [tilespmem:s26+$0x6440]  }
0x18b: {  	v20 =	vld [tilespmem:s26+$0x6450]  }
0x18c: {  	v21 =	vld [tilespmem:s26+$0x6460];
	_ =	swait.ge [sflag:s21], $0x6400  }
0x18d: {  	[sflag:s21] =	ssyncset.done $0x0  }
0x18e: {  	s29 =	simm.s32 $0x0;
	[sflag:s21] =	ssyncadd.s32 $0xFFFF9C00  }
0x18f: {  	v1 =	vadd.f32 v9, v1;
	v2 =	vadd.f32 v10, v2;
	v10 =	vld [tilespmem:s29+$0x70]  }
0x190: {  	v3 =	vadd.f32 v11, v3;
	v9 =	vadd.f32 v12, v4;
	v11 =	vld [tilespmem:s29+$0x0]  }
0x191: {  	v12 =	vadd.f32 v13, v5;
	v13 =	vadd.f32 v14, v6;
	v14 =	vld [tilespmem:s29+$0x10]  }
0x192: {  	v15 =	vadd.f32 v15, v7;
	v16 =	vadd.f32 v16, v8;
	v7 =	vld [tilespmem:s29+$0x20]  }
0x193: {  	v6 =	vadd.f32 v17, v1;
	v5 =	vadd.f32 v18, v2;
	v8 =	vld [tilespmem:s29+$0x30]  }
0x194: {  	v4 =	vadd.f32 v19, v3;
	v3 =	vadd.f32 v20, v9;
	v9 =	vld [tilespmem:s29+$0x40]  }
0x195: {  	v2 =	vadd.f32 v21, v12;
	v1 =	vadd.f32 v10, v13;
	v10 =	vld [tilespmem:s29+$0x50]  }
0x196: {  	s26 =	simm.s32 $0x80;
	s28 =	simm.s32 $0x400;
	v11 =	vadd.f32 v11, v15;
	v13 =	vld [tilespmem:s29+$0x60];
	v12 =	vadd.f32 v14, v16  }
.LBB2_30:
0x197: {  	p0 =	sne.s32 s28, $0x18E00;
	v14 =	vld [tilespmem:s26+$0x70];
	v6 =	vadd.f32 v7, v6  }
0x198: {  	v15 =	vld [tilespmem:s26+$0x0];
	v5 =	vadd.f32 v8, v5  }
0x199: {  	v16 =	vld [tilespmem:s26+$0x10];
	v4 =	vadd.f32 v9, v4  }
.Ltmp14:
0x19a: {  	v7 =	vld [tilespmem:s26+$0x20];
	v3 =	vadd.f32 v10, v3;
	(pc) =	sbr.rel @p0 .LBB2_30-.Ltmp14, $4  }
0x19b: {  	v8 =	vld [tilespmem:s26+$0x30];
	v2 =	vadd.f32 v13, v2  }
0x19c: {  	v9 =	vld [tilespmem:s26+$0x40];
	v1 =	vadd.f32 v14, v1  }
0x19d: {  	v11 =	vadd.f32 v15, v11;
	v10 =	vld [tilespmem:s26+$0x50]  }
0x19e: {  	v12 =	vadd.f32 v16, v12;
	v13 =	vld [tilespmem:s26+$0x60];
	s26 =	sshra.s32 s28, $0x2;
	s28 =	sadd.s32 $0x200, s28  }
0x19f: {  	v14 =	vld [tilespmem:s26+$0x70]  }
0x1a0: {  	v15 =	vld [tilespmem:s26+$0x0]  }
0x1a1: {  	v16 =	vld [tilespmem:s26+$0x10]  }
0x1a2: {  	v17 =	vld [tilespmem:s26+$0x20]  }
0x1a3: {  	v18 =	vld [tilespmem:s26+$0x30]  }
0x1a4: {  	v19 =	vld [tilespmem:s26+$0x40]  }
0x1a5: {  	v61 =	vld [tilespmem:s26+$0x50]  }
0x1a6: {  	v63 =	vld [tilespmem:s26+$0x60];
	[tilespmem:$0xC880] =	vst v0  }
0x1a7: {  	[tilespmem:$0xC890] =	vst v0  }
0x1a8: {  	[tilespmem:$0xC8A0] =	vst v0  }
0x1a9: {  	[tilespmem:$0xC8B0] =	vst v0  }
0x1aa: {  	[tilespmem:$0xC8C0] =	vst v0  }
0x1ab: {  	[tilespmem:$0xC8D0] =	vst v0  }
0x1ac: {  	[tilespmem:$0xC8E0] =	vst v0  }
0x1ad: {  	[tilespmem:$0xC8F0] =	vst v0  }
0x1ae: {  	[tilespmem:$0xC900] =	vst v0  }
0x1af: {  	[tilespmem:$0xC910] =	vst v0  }
0x1b0: {  	[tilespmem:$0xC920] =	vst v0  }
0x1b1: {  	[tilespmem:$0xC930] =	vst v0  }
0x1b2: {  	[tilespmem:$0xC940] =	vst v0  }
0x1b3: {  	[tilespmem:$0xC950] =	vst v0  }
0x1b4: {  	[tilespmem:$0xC960] =	vst v0  }
0x1b5: {  	[tilespmem:$0xC970] =	vst v0  }
0x1b6: {  	[tilespmem:$0xC980] =	vst v0  }
0x1b7: {  	[tilespmem:$0xC990] =	vst v0  }
0x1b8: {  	[tilespmem:$0xC9A0] =	vst v0  }
0x1b9: {  	[tilespmem:$0xC9B0] =	vst v0  }
0x1ba: {  	[tilespmem:$0xC9C0] =	vst v0  }
0x1bb: {  	[tilespmem:$0xC9D0] =	vst v0  }
0x1bc: {  	[tilespmem:$0xC9E0] =	vst v0  }
0x1bd: {  	[tilespmem:$0xC9F0] =	vst v0  }
0x1be: {  	[tilespmem:$0xCA00] =	vst v0  }
0x1bf: {  	[tilespmem:$0xCA10] =	vst v0  }
0x1c0: {  	[tilespmem:$0xCA20] =	vst v0  }
0x1c1: {  	[tilespmem:$0xCA30] =	vst v0  }
0x1c2: {  	[tilespmem:$0xCA40] =	vst v0  }
0x1c3: {  	[tilespmem:$0xCA50] =	vst v0  }
0x1c4: {  	[tilespmem:$0xCA60] =	vst v0  }
0x1c5: {  	[tilespmem:$0xCA70] =	vst v0  }
0x1c6: {  	[tilespmem:$0xCA80] =	vst v0  }
0x1c7: {  	[tilespmem:$0xCA90] =	vst v0  }
0x1c8: {  	[tilespmem:$0xCAA0] =	vst v0  }
0x1c9: {  	[tilespmem:$0xCAB0] =	vst v0  }
0x1ca: {  	[tilespmem:$0xCAC0] =	vst v0  }
0x1cb: {  	[tilespmem:$0xCAD0] =	vst v0  }
0x1cc: {  	[tilespmem:$0xCAE0] =	vst v0  }
0x1cd: {  	[tilespmem:$0xCAF0] =	vst v0  }
0x1ce: {  	[tilespmem:$0xCB00] =	vst v0  }
0x1cf: {  	[tilespmem:$0xCB10] =	vst v0  }
0x1d0: {  	[tilespmem:$0xCB20] =	vst v0  }
0x1d1: {  	[tilespmem:$0xCB30] =	vst v0  }
0x1d2: {  	[tilespmem:$0xCB40] =	vst v0  }
0x1d3: {  	[tilespmem:$0xCB50] =	vst v0  }
0x1d4: {  	[tilespmem:$0xCB60] =	vst v0  }
0x1d5: {  	[tilespmem:$0xCB70] =	vst v0  }
0x1d6: {  	[tilespmem:$0xCB80] =	vst v0  }
0x1d7: {  	[tilespmem:$0xCB90] =	vst v0  }
0x1d8: {  	[tilespmem:$0xCBA0] =	vst v0  }
0x1d9: {  	[tilespmem:$0xCBB0] =	vst v0  }
0x1da: {  	[tilespmem:$0xCBC0] =	vst v0  }
0x1db: {  	[tilespmem:$0xCBD0] =	vst v0  }
0x1dc: {  	v6 =	vadd.f32 v7, v6;
	[tilespmem:$0xCBE0] =	vst v0;
	v60 =	vadd.f32 v15, v11  }
0x1dd: {  	[tilespmem:$0xCBF0] =	vst v0;
	v5 =	vadd.f32 v8, v5;
	v62 =	vadd.f32 v16, v12  }
0x1de: {  	v4 =	vadd.f32 v9, v4;
	v6 =	vadd.f32 v17, v6;
	[tilespmem:$0xC800] =	vst v60  }
0x1df: {  	v3 =	vadd.f32 v10, v3;
	v5 =	vadd.f32 v18, v5;
	[tilespmem:$0xC810] =	vst v62  }
0x1e0: {  	v4 =	vadd.f32 v19, v4;
	[tilespmem:$0xC820] =	vst v6  }
0x1e1: {  	v2 =	vadd.f32 v13, v2;
	v3 =	vadd.f32 v61, v3;
	[tilespmem:$0xC830] =	vst v5  }
0x1e2: {  	v1 =	vadd.f32 v14, v1;
	[tilespmem:$0xC840] =	vst v4  }
0x1e3: {  	s25 =	sadd.s32 $0x1, s25;
	v2 =	vadd.f32 v63, v2;
	[tilespmem:$0xC850] =	vst v3  }
0x1e4: {  	p0 =	sne.s32 s25, s19;
	[tilespmem:$0xC870] =	vst v1  }
.Ltmp15:
0x1e5: {  	[tilespmem:$0xC860] =	vst v2;
	(pc) =	sbr.rel @p0 .LBB2_1-.Ltmp15, $4  }
0x1e6: {  	[hbm4b:s18+s2] =	stream.linear.scatter [tilespmem:s23], [sflag:$0x3], $0x400, $0x38;
	[tilespmem:$0xCC00] =	vst v63  }
0x1e7: {  	_ =	swait.ge [sflag:s24], $0x400  }
0x1e8: {  	[sflag:s24] =	ssyncset.done $0x0  }
0x1e9: {  	[sflag:s24] =	ssyncadd.s32 $0xFFFFFC00  }
0x1ea: {  	_ =	sfence.sel $0x180000  }
0x1eb: {  	[bflag:$0x0] =	sbarrier.arrive $0xFFFF  }
0x1ec: {  	p0 =	sne.s32 s0, $0x0;
	_ =	strace $0x90000047  }
0x1ed: {  	s0 =	sadd.s32 @!p0 $0x100000, s1;
	[bflag:$0x2] =	sbarrier.arrive $0xFFFF  }
0x1ee: {  	[sflag:s0] =	ssyncadd.tile.s32 @!p0 $0x1;
	_ =	shalt  }
.Lfunc_end2:
_tile_overlayer_lowered:
.L_overlay_start_2:
0x1ef: {  	(tag) =	ssettag $0x2  }
0x1f0: {  	s0 =	rddreg [dreg:$0x0];
	s2 =	stileid.u32  }
0x1f1: {  	s1 =	rddreg [dreg:$0x1];
	p0 =	sne.s32 s2, $0x0  }
0x1f2: {  	s3 =	rddreg [dreg:$0x2];
	[bflag:$0x3] =	sbarrier.arrive $0xFFFF;
	s2 =	simm.s32 @!p0 $0x1C03  }
0x1f3: {  	[timem:s3], [sflag:s2] =	dma.local @!p0 [hbm:s0], s1  }
0x1f4: {  	s0 =	simm.s32 @!p0 $0x3  }
0x1f5: {  	_ =	swait.ge @!p0 [sflag:s0], s1  }
0x1f6: {  	s1 =	ssub.s32 @!p0 $0x0, s1;
	[sflag:s0] =	ssyncset.done @!p0 $0x0  }
0x1f7: {  	[sflag:s0] =	ssyncadd.s32 @!p0 s1  }
0x1f8: {  	[bflag:$0x3] =	sbarrier.arrive $0xFFFF  }
0x1f9: {  	_ =	shalt  }

</sc_bundles>
